<compile_context>
chip_gen: v7x
topology: tpu7x:2x2x1
jax: 0.10.2.dev20260603
libtpu: 0.0.44.dev20260713+nightly
codegen_flags: <defaults>
</compile_context>

<pallas_src>
import functools

import jax
import jax.numpy as jnp
from jax import lax
from jax.experimental import pallas as pl
from jax.experimental.pallas import tpu as pltpu
from jax.experimental.pallas import tpu_sc as plsc

N = 10000
E = 320000
D = 128

NPAD = 10112
AROWS_PER_TILE = NPAD // 16
CHUNK = 128
CH0 = 126
CH1 = 32
TOT_CH = 16 * (CH0 + CH1)
E_PAD = TOT_CH * CHUNK

NBUF = 3



_sc_mesh = plsc.VectorSubcoreMesh(core_axis_name="c", subcore_axis_name="s")


@functools.partial(
    pl.kernel,
    out_type=jax.ShapeDtypeStruct((2, NPAD, D), jnp.float32),
    mesh=_sc_mesh,
    scratch_types=[
        pltpu.VMEM((NBUF, 2, CHUNK), jnp.int32),
        pltpu.VMEM((NBUF, CHUNK, D), jnp.float32),
        pltpu.VMEM_SHARED((NPAD, D), jnp.float32),
        pltpu.SemaphoreType.DMA,
        pltpu.SemaphoreType.DMA,
        pltpu.SemaphoreType.DMA,
    ],
)
def _sc_aggregate(h_hbm, eidx_hbm, zeros_hbm, out_hbm,
                  eidx, rows, acc, sem_g, sem_s, sem_i):
    c = lax.axis_index("c")
    s = lax.axis_index("s")
    n_ch = jnp.where(c == 0, CH0, CH1)
    cbase = jnp.where(c == 0, s * CH0, 16 * CH0 + s * CH1)
    row0 = s * AROWS_PER_TILE

    pltpu.sync_copy(zeros_hbm, acc.at[pl.ds(row0, AROWS_PER_TILE)])
    plsc.subcore_barrier()

    def idx_start(j):
        pltpu.async_copy(eidx_hbm.at[cbase + j], eidx.at[lax.rem(j, NBUF)],
                         sem_i)

    def idx_wait(j):
        pltpu.make_async_copy(eidx_hbm.at[cbase + j],
                              eidx.at[lax.rem(j, NBUF)], sem_i).wait()

    def gather_start(j):
        pltpu.async_copy(h_hbm.at[eidx.at[lax.rem(j, NBUF), 0]],
                         rows.at[lax.rem(j, NBUF)], sem_g)

    def gather_wait(j):
        pltpu.make_async_copy(h_hbm.at[eidx.at[lax.rem(j, NBUF), 0]],
                              rows.at[lax.rem(j, NBUF)], sem_g).wait()

    def scatter_start(j):
        pltpu.async_copy(rows.at[lax.rem(j, NBUF)],
                         acc.at[eidx.at[lax.rem(j, NBUF), 1]],
                         sem_s, add=True)

    def scatter_wait(j):
        pltpu.make_async_copy(rows.at[lax.rem(j, NBUF)],
                              acc.at[eidx.at[lax.rem(j, NBUF), 1]],
                              sem_s).wait()

    idx_start(0)
    idx_wait(0)
    gather_start(0)

    def chunk_body(j, carry):
        @pl.when(j > 1)
        def _():
            scatter_wait(j - 2)

        @pl.when(j + 1 < n_ch)
        def _():
            idx_start(j + 1)

        gather_wait(j)
        scatter_start(j)

        @pl.when(j + 1 < n_ch)
        def _():
            idx_wait(j + 1)
            gather_start(j + 1)

        return carry

    lax.fori_loop(0, n_ch, chunk_body, 0)
    scatter_wait(n_ch - 2)
    scatter_wait(n_ch - 1)
    plsc.subcore_barrier()

    pltpu.sync_copy(acc.at[pl.ds(row0, AROWS_PER_TILE)],
                    out_hbm.at[c, pl.ds(row0, AROWS_PER_TILE)])



_BLK = 632


def _lin1_body(x_ref, w_ref, b_ref, o_ref):
    o_ref[...] = lax.dot_general(
        x_ref[...], w_ref[...], (((1,), (1,)), ((), ())),
        preferred_element_type=jnp.float32) + b_ref[...]


def _lin1(xp, W, b):
    return pl.pallas_call(
        _lin1_body,
        grid=(16,),
        in_specs=[
            pl.BlockSpec((_BLK, D), lambda i: (i, 0)),
            pl.BlockSpec((D, D), lambda i: (0, 0)),
            pl.BlockSpec((1, D), lambda i: (0, 0)),
        ],
        out_specs=pl.BlockSpec((_BLK, D), lambda i: (i, 0)),
        out_shape=jax.ShapeDtypeStruct((NPAD, D), jnp.float32),
    )(xp, W, b.reshape(1, D))


def _lin2_body(v_ref, n_ref, w_ref, b_ref, o_ref):
    t = jnp.maximum(n_ref[...] * (v_ref[0] + v_ref[1]), 0.0)
    o_ref[...] = lax.dot_general(
        t, w_ref[...], (((1,), (1,)), ((), ())),
        preferred_element_type=jnp.float32) + b_ref[...]


def _lin2(v, normp, W, b):
    return pl.pallas_call(
        _lin2_body,
        grid=(16,),
        in_specs=[
            pl.BlockSpec((2, _BLK, D), lambda i: (0, i, 0)),
            pl.BlockSpec((_BLK, 1), lambda i: (i, 0)),
            pl.BlockSpec((D, D), lambda i: (0, 0)),
            pl.BlockSpec((1, D), lambda i: (0, 0)),
        ],
        out_specs=pl.BlockSpec((_BLK, D), lambda i: (i, 0)),
        out_shape=jax.ShapeDtypeStruct((NPAD, D), jnp.float32),
    )(v, normp, W, b.reshape(1, D))


def _final_body(v_ref, n_ref, o_ref):
    o_ref[...] = n_ref[...] * (v_ref[0] + v_ref[1])


def _final(v, normp):
    return pl.pallas_call(
        _final_body,
        grid=(16,),
        in_specs=[
            pl.BlockSpec((2, _BLK, D), lambda i: (0, i, 0)),
            pl.BlockSpec((_BLK, 1), lambda i: (i, 0)),
        ],
        out_specs=pl.BlockSpec((_BLK, D), lambda i: (i, 0)),
        out_shape=jax.ShapeDtypeStruct((NPAD, D), jnp.float32),
    )(v, normp)



def kernel(x, norm, edge_index, W1, b1, W2, b2):
    xp = jnp.pad(x, ((0, NPAD - N), (0, 0)))
    normp = jnp.pad(norm, ((0, NPAD - N), (0, 0)))
    src = jnp.pad(edge_index[0].astype(jnp.int32),
                  (0, E_PAD - E)).reshape(TOT_CH, 1, CHUNK)
    dst = jnp.pad(edge_index[1].astype(jnp.int32), (0, E_PAD - E),
                  constant_values=N
                  ).reshape(TOT_CH, 1, CHUNK)
    eidx = jnp.concatenate([src, dst], axis=1)
    zeros = jnp.zeros((AROWS_PER_TILE, D), jnp.float32)

    h1 = _lin1(xp, W1, b1)
    v1 = _sc_aggregate(h1, eidx, zeros)
    h2 = _lin2(v1, normp, W2, b2)
    v2 = _sc_aggregate(h2, eidx, zeros)
    out = _final(v2, normp)
    return out[:N]

# --- scband reference (transcript-rebuilt; emitter-appended) ---
"""Pipeline reference for scband-gcnmodel-55817394978940 (READ-ONLY COPY).

The authoritative reference and input builder live on the scoring server;
editing this copy changes nothing except your own understanding.
"""

import jax, jax.numpy as jnp
import numpy as np

N = 10000
E = 320000
D_IN = 128
D_HID = 128
D_OUT = 128


def setup_inputs(seed: int = 0) -> dict:
    key = jax.random.key(seed)
    k_x, k_n, k_e, k_w1, k_b1, k_w2, k_b2 = jax.random.split(key, 7)
    x = jax.random.normal(k_x, (N, D_IN), dtype=jnp.float32)
    norm = jax.random.uniform(k_n, (N, 1), dtype=jnp.float32)
    edge_index = jax.random.randint(k_e, (2, E), 0, N, dtype=jnp.int64)
    W1 = jax.random.normal(k_w1, (D_HID, D_IN), dtype=jnp.float32) * (1.0 / np.sqrt(D_IN))
    b1 = jax.random.normal(k_b1, (D_HID,), dtype=jnp.float32) * 0.01
    W2 = jax.random.normal(k_w2, (D_OUT, D_HID), dtype=jnp.float32) * (1.0 / np.sqrt(D_HID))
    b2 = jax.random.normal(k_b2, (D_OUT,), dtype=jnp.float32) * 0.01
    return {"x": x, "norm": norm, "edge_index": edge_index, "W1": W1, "b1": b1, "W2": W2, "b2": b2}


def _gcn_layer(x, norm, edge_index, W, b):
    # h = Linear(x)
    h = x @ W.T + b
    src = edge_index[0]
    dst = edge_index[1]
    # message: copy_u -> gather source node features per edge
    m = jnp.take(h, src, axis=0)
    # reduce: aggregate_sum over destination nodes (scatter-add)
    v = jax.ops.segment_sum(m, dst, num_segments=N)
    return norm * v


def reference(x, norm, edge_index, W1, b1, W2, b2):
    h = _gcn_layer(x, norm, edge_index, W1, b1)
    # activation: Dropout(0.5) in eval mode == identity, then ReLU
    h = jax.nn.relu(h)
    out = _gcn_layer(h, norm, edge_index, W2, b2)
    return out

if __name__ == "__main__":
    import jax
    _d = setup_inputs()
    print(jax.jit(kernel)(*tuple(_d.values())))

</pallas_src>

<mosaic_0001>
#map = affine_map<(d0, d1) -> (0, 0)>
#map1 = affine_map<(d0, d1) -> (0, 0, 0)>
module attributes {stable_mosaic.version = 14 : i64} {
  func.func @_sc_aggregate(%arg0: i32, %arg1: i32, %arg2: memref<10112x128xf32, #tpu.memory_space<hbm>>, %arg3: memref<2528x2x128xi32, #tpu.memory_space<hbm>>, %arg4: memref<632x128xf32, #tpu.memory_space<hbm>>, %arg5: memref<2x10112x128xf32, #tpu.memory_space<hbm>>, %arg6: memref<3x2x128xi32, #tpu.memory_space<vmem>>, %arg7: memref<3x128x128xf32, #tpu.memory_space<vmem>>, %arg8: memref<10112x128xf32, #tpu.memory_space<vmem_shared>>, %arg9: memref<!tpu.dma_semaphore, #tpu.memory_space<semaphore_mem>>, %arg10: memref<!tpu.dma_semaphore, #tpu.memory_space<semaphore_mem>>, %arg11: memref<!tpu.dma_semaphore, #tpu.memory_space<semaphore_mem>>) attributes {dimension_semantics = [#tpu.dimension_semantics<core_parallel>, #tpu.dimension_semantics<subcore_parallel>], iteration_bounds = array<i64: 2, 16>, scalar_prefetch = 0 : i64, scratch_operands = 6 : i64, tpu.core_type = #tpu.core_type<sc_vector_subcore>, window_params = [{transform_indices = #map}, {transform_indices = #map1}, {transform_indices = #map}, {transform_indices = #map1}]} {
    %eq3A = arith.constant 0 : i32
    %eq3A_0 = arith.cmpi eq, %arg0, %eq3A : i32
    %jit3A = arith.constant 126 : i32
    %jit3A_1 = arith.constant 32 : i32
    %select_n3A = arith.select %eq3A_0, %jit3A, %jit3A_1 : i32
    %eq3A_2 = arith.constant 0 : i32
    %eq3A_3 = arith.cmpi eq, %arg0, %eq3A_2 : i32
    %mul3A = arith.constant 126 : i32
    %mul3A_4 = arith.muli %arg1, %mul3A : i32
    %mul3A_5 = arith.constant 32 : i32
    %mul3A_6 = arith.muli %arg1, %mul3A_5 : i32
    %add3A = arith.constant 2016 : i32
    %add3A_7 = arith.addi %add3A, %mul3A_6 : i32
    %select_n3A_8 = arith.select %eq3A_3, %mul3A_4, %add3A_7 : i32
    %mul3A_9 = arith.constant 632 : i32
    %mul3A_10 = arith.muli %arg1, %mul3A_9 : i32
    "tpu.region"() ({
      %run_scoped3A = tpu.sem_alloc : memref<!tpu.dma_semaphore, #tpu.memory_space<semaphore_mem>>
      %dma_start3A_110 = arith.constant 0 : i32
      %dma_start3A_111 = tpu.memref_slice %arg8[%mul3A_10, %dma_start3A_110] : memref<10112x128xf32, #tpu.memory_space<vmem_shared>> -> memref<632x128xf32, #tpu.memory_space<vmem_shared>>
      tpu.enqueue_dma source(%arg4 : memref<632x128xf32, #tpu.memory_space<hbm>>) target(%dma_start3A_111 : memref<632x128xf32, #tpu.memory_space<vmem_shared>>) target_semaphore(%run_scoped3A : memref<!tpu.dma_semaphore, #tpu.memory_space<semaphore_mem>>)
      %dma_wait3A_112 = arith.constant 0 : i32
      %dma_wait3A_113 = tpu.memref_slice %arg8[%mul3A_10, %dma_wait3A_112] : memref<10112x128xf32, #tpu.memory_space<vmem_shared>> -> memref<632x128xf32, #tpu.memory_space<vmem_shared>>
      tpu.wait_dma2 semaphore(%run_scoped3A : memref<!tpu.dma_semaphore, #tpu.memory_space<semaphore_mem>>) src(%arg4 : memref<632x128xf32, #tpu.memory_space<hbm>>) dst(%dma_wait3A_113 : memref<632x128xf32, #tpu.memory_space<vmem_shared>>)
      tpu.yield
    }) : () -> ()
    %barrier3A = arith.constant 0 : index
    tpu.barrier barrier_id(%barrier3A)
    %add3A_11 = arith.constant 0 : i32
    %add3A_12 = arith.addi %select_n3A_8, %add3A_11 : i32
    %rem3A = arith.constant 0 : i32
    %rem3A_13 = arith.constant 3 : i32
    %rem3A_14 = arith.remsi %rem3A, %rem3A_13 : i32
    %dma_start3A = arith.constant 0 : i32
    %dma_start3A_15 = arith.constant 0 : i32
    %dma_start3A_16 = tpu.memref_slice %arg6[%rem3A_14, %dma_start3A, %dma_start3A_15] : memref<3x2x128xi32, #tpu.memory_space<vmem>> -> memref<1x2x128xi32, #tpu.memory_space<vmem>>
    %dma_start3A_17 = tpu.memref_squeeze %dma_start3A_16 : memref<1x2x128xi32, #tpu.memory_space<vmem>> -> memref<2x128xi32, #tpu.memory_space<vmem>>
    %dma_start3A_18 = arith.constant 0 : i32
    %dma_start3A_19 = arith.constant 0 : i32
    %dma_start3A_20 = tpu.memref_slice %arg3[%add3A_12, %dma_start3A_18, %dma_start3A_19] : memref<2528x2x128xi32, #tpu.memory_space<hbm>> -> memref<1x2x128xi32, #tpu.memory_space<hbm>>
    %dma_start3A_21 = tpu.memref_squeeze %dma_start3A_20 : memref<1x2x128xi32, #tpu.memory_space<hbm>> -> memref<2x128xi32, #tpu.memory_space<hbm>>
    %dma_start3A_22 = arith.constant 0 : i32
    %dma_start3A_23 = arith.constant 0 : i32
    %dma_start3A_24 = tpu.memref_slice %arg6[%rem3A_14, %dma_start3A_22, %dma_start3A_23] : memref<3x2x128xi32, #tpu.memory_space<vmem>> -> memref<1x2x128xi32, #tpu.memory_space<vmem>>
    %dma_start3A_25 = tpu.memref_squeeze %dma_start3A_24 : memref<1x2x128xi32, #tpu.memory_space<vmem>> -> memref<2x128xi32, #tpu.memory_space<vmem>>
    %dma_start3A_26 = arith.constant 0 : i32
    %dma_start3A_27 = arith.constant 0 : i32
    %dma_start3A_28 = tpu.memref_slice %arg3[%add3A_12, %dma_start3A_26, %dma_start3A_27] : memref<2528x2x128xi32, #tpu.memory_space<hbm>> -> memref<1x2x128xi32, #tpu.memory_space<hbm>>
    %dma_start3A_29 = tpu.memref_squeeze %dma_start3A_28 : memref<1x2x128xi32, #tpu.memory_space<hbm>> -> memref<2x128xi32, #tpu.memory_space<hbm>>
    tpu.enqueue_dma source(%dma_start3A_29 : memref<2x128xi32, #tpu.memory_space<hbm>>) target(%dma_start3A_25 : memref<2x128xi32, #tpu.memory_space<vmem>>) target_semaphore(%arg11 : memref<!tpu.dma_semaphore, #tpu.memory_space<semaphore_mem>>)
    %add3A_30 = arith.constant 0 : i32
    %add3A_31 = arith.addi %select_n3A_8, %add3A_30 : i32
    %rem3A_32 = arith.constant 0 : i32
    %rem3A_33 = arith.constant 3 : i32
    %rem3A_34 = arith.remsi %rem3A_32, %rem3A_33 : i32
    %dma_wait3A = arith.constant 0 : i32
    %dma_wait3A_35 = arith.constant 0 : i32
    %dma_wait3A_36 = tpu.memref_slice %arg6[%rem3A_34, %dma_wait3A, %dma_wait3A_35] : memref<3x2x128xi32, #tpu.memory_space<vmem>> -> memref<1x2x128xi32, #tpu.memory_space<vmem>>
    %dma_wait3A_37 = tpu.memref_squeeze %dma_wait3A_36 : memref<1x2x128xi32, #tpu.memory_space<vmem>> -> memref<2x128xi32, #tpu.memory_space<vmem>>
    %dma_wait3A_38 = arith.constant 0 : i32
    %dma_wait3A_39 = arith.constant 0 : i32
    %dma_wait3A_40 = tpu.memref_slice %arg3[%add3A_31, %dma_wait3A_38, %dma_wait3A_39] : memref<2528x2x128xi32, #tpu.memory_space<hbm>> -> memref<1x2x128xi32, #tpu.memory_space<hbm>>
    %dma_wait3A_41 = tpu.memref_squeeze %dma_wait3A_40 : memref<1x2x128xi32, #tpu.memory_space<hbm>> -> memref<2x128xi32, #tpu.memory_space<hbm>>
    %dma_wait3A_42 = arith.constant 0 : i32
    %dma_wait3A_43 = arith.constant 0 : i32
    %dma_wait3A_44 = tpu.memref_slice %arg6[%rem3A_34, %dma_wait3A_42, %dma_wait3A_43] : memref<3x2x128xi32, #tpu.memory_space<vmem>> -> memref<1x2x128xi32, #tpu.memory_space<vmem>>
    %dma_wait3A_45 = tpu.memref_squeeze %dma_wait3A_44 : memref<1x2x128xi32, #tpu.memory_space<vmem>> -> memref<2x128xi32, #tpu.memory_space<vmem>>
    %dma_wait3A_46 = arith.constant 0 : i32
    %dma_wait3A_47 = arith.constant 0 : i32
    %dma_wait3A_48 = tpu.memref_slice %arg3[%add3A_31, %dma_wait3A_46, %dma_wait3A_47] : memref<2528x2x128xi32, #tpu.memory_space<hbm>> -> memref<1x2x128xi32, #tpu.memory_space<hbm>>
    %dma_wait3A_49 = tpu.memref_squeeze %dma_wait3A_48 : memref<1x2x128xi32, #tpu.memory_space<hbm>> -> memref<2x128xi32, #tpu.memory_space<hbm>>
    tpu.wait_dma2 semaphore(%arg11 : memref<!tpu.dma_semaphore, #tpu.memory_space<semaphore_mem>>) src(%dma_wait3A_49 : memref<2x128xi32, #tpu.memory_space<hbm>>) dst(%dma_wait3A_45 : memref<2x128xi32, #tpu.memory_space<vmem>>)
    %rem3A_50 = arith.constant 0 : i32
    %rem3A_51 = arith.constant 3 : i32
    %rem3A_52 = arith.remsi %rem3A_50, %rem3A_51 : i32
    %rem3A_53 = arith.constant 0 : i32
    %rem3A_54 = arith.constant 3 : i32
    %rem3A_55 = arith.remsi %rem3A_53, %rem3A_54 : i32
    %dma_start3A_56 = arith.constant 0 : i32
    %dma_start3A_57 = arith.constant 0 : i32
    %dma_start3A_58 = arith.constant 0 : i32
    %dma_start3A_59 = tpu.memref_slice %arg7[%rem3A_55, %dma_start3A_57, %dma_start3A_58] : memref<3x128x128xf32, #tpu.memory_space<vmem>> -> memref<1x128x128xf32, #tpu.memory_space<vmem>>
    %dma_start3A_60 = tpu.memref_squeeze %dma_start3A_59 : memref<1x128x128xf32, #tpu.memory_space<vmem>> -> memref<128x128xf32, #tpu.memory_space<vmem>>
    %dma_start3A_61 = arith.constant 0 : i32
    %dma_start3A_62 = tpu.memref_slice %arg6[%rem3A_52, %dma_start3A_56, %dma_start3A_61] : memref<3x2x128xi32, #tpu.memory_space<vmem>> -> memref<1x1x128xi32, #tpu.memory_space<vmem>>
    %dma_start3A_63 = tpu.memref_squeeze %dma_start3A_62 : memref<1x1x128xi32, #tpu.memory_space<vmem>> -> memref<128xi32, #tpu.memory_space<vmem>>
    %dma_start3A_64 = arith.constant 0 : i32
    %dma_start3A_65 = arith.constant 0 : i32
    %dma_start3A_66 = tpu.memref_slice %arg2[%dma_start3A_64, %dma_start3A_65] : memref<10112x128xf32, #tpu.memory_space<hbm>> -> memref<10112x128xf32, #tpu.memory_space<hbm>>
    tpu.enqueue_indirect_dma source(%dma_start3A_66 : memref<10112x128xf32, #tpu.memory_space<hbm>>) target(%dma_start3A_60 : memref<128x128xf32, #tpu.memory_space<vmem>>) offsets(%dma_start3A_63 : memref<128xi32, #tpu.memory_space<vmem>>) semaphore(%arg9 : memref<!tpu.dma_semaphore, #tpu.memory_space<semaphore_mem>>)
    %while3A = arith.constant 0 : i32
    %while3A_67 = arith.constant 0 : i32
    %while3A_68 = arith.subi %select_n3A, %while3A_67 : i32
    %while3A_69 = arith.addi %while3A_67, %while3A_68 : i32
    %while3A_70 = arith.constant 1 : i32
    %while3A_71 = arith.divsi %while3A_68, %while3A_70 : i32
    %while3A_72 = arith.muli %while3A_71, %while3A_70 : i32
    %while3A_73 = arith.addi %while3A_67, %while3A_72 : i32
    %while3A_74 = arith.constant 1 : i32
    scf.for %while3A_110 = %while3A_67 to %while3A_73 step %while3A_74  : i32 {
      %gt3A = arith.constant 1 : i32
      %gt3A_111 = arith.cmpi sgt, %while3A_110, %gt3A : i32
      %convert_element_type3A = arith.extui %gt3A_111 : i1 to i32
      %cond3A = arith.constant 0 : i32
      %cond3A_112 = arith.cmpi ne, %convert_element_type3A, %cond3A : i32
      scf.if %cond3A_112 {
        %sub3A_154 = arith.constant 2 : i32
        %sub3A_155 = arith.subi %while3A_110, %sub3A_154 : i32
        %rem3A_156 = arith.constant 3 : i32
        %rem3A_157 = arith.remsi %sub3A_155, %rem3A_156 : i32
        %rem3A_158 = arith.constant 3 : i32
        %rem3A_159 = arith.remsi %sub3A_155, %rem3A_158 : i32
        %dma_wait3A_160 = arith.constant 1 : i32
        %dma_wait3A_161 = arith.constant 0 : i32
        %dma_wait3A_162 = arith.constant 0 : i32
        %dma_wait3A_163 = tpu.memref_slice %arg7[%rem3A_157, %dma_wait3A_161, %dma_wait3A_162] : memref<3x128x128xf32, #tpu.memory_space<vmem>> -> memref<1x128x128xf32, #tpu.memory_space<vmem>>
        %dma_wait3A_164 = tpu.memref_squeeze %dma_wait3A_163 : memref<1x128x128xf32, #tpu.memory_space<vmem>> -> memref<128x128xf32, #tpu.memory_space<vmem>>
        %dma_wait3A_165 = arith.constant 0 : i32
        %dma_wait3A_166 = tpu.memref_slice %arg6[%rem3A_159, %dma_wait3A_160, %dma_wait3A_165] : memref<3x2x128xi32, #tpu.memory_space<vmem>> -> memref<1x1x128xi32, #tpu.memory_space<vmem>>
        %dma_wait3A_167 = tpu.memref_squeeze %dma_wait3A_166 : memref<1x1x128xi32, #tpu.memory_space<vmem>> -> memref<128xi32, #tpu.memory_space<vmem>>
        %dma_wait3A_168 = arith.constant 0 : i32
        %dma_wait3A_169 = arith.constant 0 : i32
        %dma_wait3A_170 = tpu.memref_slice %arg8[%dma_wait3A_168, %dma_wait3A_169] : memref<10112x128xf32, #tpu.memory_space<vmem_shared>> -> memref<10112x128xf32, #tpu.memory_space<vmem_shared>>
        tpu.wait_indirect_dma semaphore(%arg10 : memref<!tpu.dma_semaphore, #tpu.memory_space<semaphore_mem>>) src(%dma_wait3A_164 : memref<128x128xf32, #tpu.memory_space<vmem>>) dst(%dma_wait3A_170 : memref<10112x128xf32, #tpu.memory_space<vmem_shared>>)
      } else {
      }
      %add3A_113 = arith.constant 1 : i32
      %add3A_114 = arith.addi %while3A_110, %add3A_113 : i32
      %lt3A = arith.cmpi slt, %add3A_114, %select_n3A : i32
      %convert_element_type3A_115 = arith.extui %lt3A : i1 to i32
      %cond3A_116 = arith.constant 0 : i32
      %cond3A_117 = arith.cmpi ne, %convert_element_type3A_115, %cond3A_116 : i32
      scf.if %cond3A_117 {
        %add3A_154 = arith.constant 1 : i32
        %add3A_155 = arith.addi %while3A_110, %add3A_154 : i32
        %add3A_156 = arith.addi %select_n3A_8, %add3A_155 : i32
        %rem3A_157 = arith.constant 3 : i32
        %rem3A_158 = arith.remsi %add3A_155, %rem3A_157 : i32
        %dma_start3A_159 = arith.constant 0 : i32
        %dma_start3A_160 = arith.constant 0 : i32
        %dma_start3A_161 = tpu.memref_slice %arg6[%rem3A_158, %dma_start3A_159, %dma_start3A_160] : memref<3x2x128xi32, #tpu.memory_space<vmem>> -> memref<1x2x128xi32, #tpu.memory_space<vmem>>
        %dma_start3A_162 = tpu.memref_squeeze %dma_start3A_161 : memref<1x2x128xi32, #tpu.memory_space<vmem>> -> memref<2x128xi32, #tpu.memory_space<vmem>>
        %dma_start3A_163 = arith.constant 0 : i32
        %dma_start3A_164 = arith.constant 0 : i32
        %dma_start3A_165 = tpu.memref_slice %arg3[%add3A_156, %dma_start3A_163, %dma_start3A_164] : memref<2528x2x128xi32, #tpu.memory_space<hbm>> -> memref<1x2x128xi32, #tpu.memory_space<hbm>>
        %dma_start3A_166 = tpu.memref_squeeze %dma_start3A_165 : memref<1x2x128xi32, #tpu.memory_space<hbm>> -> memref<2x128xi32, #tpu.memory_space<hbm>>
        %dma_start3A_167 = arith.constant 0 : i32
        %dma_start3A_168 = arith.constant 0 : i32
        %dma_start3A_169 = tpu.memref_slice %arg6[%rem3A_158, %dma_start3A_167, %dma_start3A_168] : memref<3x2x128xi32, #tpu.memory_space<vmem>> -> memref<1x2x128xi32, #tpu.memory_space<vmem>>
        %dma_start3A_170 = tpu.memref_squeeze %dma_start3A_169 : memref<1x2x128xi32, #tpu.memory_space<vmem>> -> memref<2x128xi32, #tpu.memory_space<vmem>>
        %dma_start3A_171 = arith.constant 0 : i32
        %dma_start3A_172 = arith.constant 0 : i32
        %dma_start3A_173 = tpu.memref_slice %arg3[%add3A_156, %dma_start3A_171, %dma_start3A_172] : memref<2528x2x128xi32, #tpu.memory_space<hbm>> -> memref<1x2x128xi32, #tpu.memory_space<hbm>>
        %dma_start3A_174 = tpu.memref_squeeze %dma_start3A_173 : memref<1x2x128xi32, #tpu.memory_space<hbm>> -> memref<2x128xi32, #tpu.memory_space<hbm>>
        tpu.enqueue_dma source(%dma_start3A_174 : memref<2x128xi32, #tpu.memory_space<hbm>>) target(%dma_start3A_170 : memref<2x128xi32, #tpu.memory_space<vmem>>) target_semaphore(%arg11 : memref<!tpu.dma_semaphore, #tpu.memory_space<semaphore_mem>>)
      } else {
      }
      %rem3A_118 = arith.constant 3 : i32
      %rem3A_119 = arith.remsi %while3A_110, %rem3A_118 : i32
      %rem3A_120 = arith.constant 3 : i32
      %rem3A_121 = arith.remsi %while3A_110, %rem3A_120 : i32
      %dma_wait3A_122 = arith.constant 0 : i32
      %dma_wait3A_123 = arith.constant 0 : i32
      %dma_wait3A_124 = arith.constant 0 : i32
      %dma_wait3A_125 = tpu.memref_slice %arg7[%rem3A_121, %dma_wait3A_123, %dma_wait3A_124] : memref<3x128x128xf32, #tpu.memory_space<vmem>> -> memref<1x128x128xf32, #tpu.memory_space<vmem>>
      %dma_wait3A_126 = tpu.memref_squeeze %dma_wait3A_125 : memref<1x128x128xf32, #tpu.memory_space<vmem>> -> memref<128x128xf32, #tpu.memory_space<vmem>>
      %dma_wait3A_127 = arith.constant 0 : i32
      %dma_wait3A_128 = tpu.memref_slice %arg6[%rem3A_119, %dma_wait3A_122, %dma_wait3A_127] : memref<3x2x128xi32, #tpu.memory_space<vmem>> -> memref<1x1x128xi32, #tpu.memory_space<vmem>>
      %dma_wait3A_129 = tpu.memref_squeeze %dma_wait3A_128 : memref<1x1x128xi32, #tpu.memory_space<vmem>> -> memref<128xi32, #tpu.memory_space<vmem>>
      %dma_wait3A_130 = arith.constant 0 : i32
      %dma_wait3A_131 = arith.constant 0 : i32
      %dma_wait3A_132 = tpu.memref_slice %arg2[%dma_wait3A_130, %dma_wait3A_131] : memref<10112x128xf32, #tpu.memory_space<hbm>> -> memref<10112x128xf32, #tpu.memory_space<hbm>>
      tpu.wait_indirect_dma semaphore(%arg9 : memref<!tpu.dma_semaphore, #tpu.memory_space<semaphore_mem>>) src(%dma_wait3A_132 : memref<10112x128xf32, #tpu.memory_space<hbm>>) dst(%dma_wait3A_126 : memref<128x128xf32, #tpu.memory_space<vmem>>)
      %rem3A_133 = arith.constant 3 : i32
      %rem3A_134 = arith.remsi %while3A_110, %rem3A_133 : i32
      %rem3A_135 = arith.constant 3 : i32
      %rem3A_136 = arith.remsi %while3A_110, %rem3A_135 : i32
      %dma_start3A_137 = arith.constant 1 : i32
      %dma_start3A_138 = arith.constant 0 : i32
      %dma_start3A_139 = arith.constant 0 : i32
      %dma_start3A_140 = tpu.memref_slice %arg7[%rem3A_134, %dma_start3A_138, %dma_start3A_139] : memref<3x128x128xf32, #tpu.memory_space<vmem>> -> memref<1x128x128xf32, #tpu.memory_space<vmem>>
      %dma_start3A_141 = tpu.memref_squeeze %dma_start3A_140 : memref<1x128x128xf32, #tpu.memory_space<vmem>> -> memref<128x128xf32, #tpu.memory_space<vmem>>
      %dma_start3A_142 = arith.constant 0 : i32
      %dma_start3A_143 = tpu.memref_slice %arg6[%rem3A_136, %dma_start3A_137, %dma_start3A_142] : memref<3x2x128xi32, #tpu.memory_space<vmem>> -> memref<1x1x128xi32, #tpu.memory_space<vmem>>
      %dma_start3A_144 = tpu.memref_squeeze %dma_start3A_143 : memref<1x1x128xi32, #tpu.memory_space<vmem>> -> memref<128xi32, #tpu.memory_space<vmem>>
      %dma_start3A_145 = arith.constant 0 : i32
      %dma_start3A_146 = arith.constant 0 : i32
      %dma_start3A_147 = tpu.memref_slice %arg8[%dma_start3A_145, %dma_start3A_146] : memref<10112x128xf32, #tpu.memory_space<vmem_shared>> -> memref<10112x128xf32, #tpu.memory_space<vmem_shared>>
      tpu.enqueue_indirect_dma source(%dma_start3A_141 : memref<128x128xf32, #tpu.memory_space<vmem>>) target(%dma_start3A_147 : memref<10112x128xf32, #tpu.memory_space<vmem_shared>>) offsets(%dma_start3A_144 : memref<128xi32, #tpu.memory_space<vmem>>) semaphore(%arg10 : memref<!tpu.dma_semaphore, #tpu.memory_space<semaphore_mem>>) {add = true}
      %add3A_148 = arith.constant 1 : i32
      %add3A_149 = arith.addi %while3A_110, %add3A_148 : i32
      %lt3A_150 = arith.cmpi slt, %add3A_149, %select_n3A : i32
      %convert_element_type3A_151 = arith.extui %lt3A_150 : i1 to i32
      %cond3A_152 = arith.constant 0 : i32
      %cond3A_153 = arith.cmpi ne, %convert_element_type3A_151, %cond3A_152 : i32
      scf.if %cond3A_153 {
        %add3A_154 = arith.constant 1 : i32
        %add3A_155 = arith.addi %while3A_110, %add3A_154 : i32
        %add3A_156 = arith.addi %select_n3A_8, %add3A_155 : i32
        %rem3A_157 = arith.constant 3 : i32
        %rem3A_158 = arith.remsi %add3A_155, %rem3A_157 : i32
        %dma_wait3A_159 = arith.constant 0 : i32
        %dma_wait3A_160 = arith.constant 0 : i32
        %dma_wait3A_161 = tpu.memref_slice %arg6[%rem3A_158, %dma_wait3A_159, %dma_wait3A_160] : memref<3x2x128xi32, #tpu.memory_space<vmem>> -> memref<1x2x128xi32, #tpu.memory_space<vmem>>
        %dma_wait3A_162 = tpu.memref_squeeze %dma_wait3A_161 : memref<1x2x128xi32, #tpu.memory_space<vmem>> -> memref<2x128xi32, #tpu.memory_space<vmem>>
        %dma_wait3A_163 = arith.constant 0 : i32
        %dma_wait3A_164 = arith.constant 0 : i32
        %dma_wait3A_165 = tpu.memref_slice %arg3[%add3A_156, %dma_wait3A_163, %dma_wait3A_164] : memref<2528x2x128xi32, #tpu.memory_space<hbm>> -> memref<1x2x128xi32, #tpu.memory_space<hbm>>
        %dma_wait3A_166 = tpu.memref_squeeze %dma_wait3A_165 : memref<1x2x128xi32, #tpu.memory_space<hbm>> -> memref<2x128xi32, #tpu.memory_space<hbm>>
        %dma_wait3A_167 = arith.constant 0 : i32
        %dma_wait3A_168 = arith.constant 0 : i32
        %dma_wait3A_169 = tpu.memref_slice %arg6[%rem3A_158, %dma_wait3A_167, %dma_wait3A_168] : memref<3x2x128xi32, #tpu.memory_space<vmem>> -> memref<1x2x128xi32, #tpu.memory_space<vmem>>
        %dma_wait3A_170 = tpu.memref_squeeze %dma_wait3A_169 : memref<1x2x128xi32, #tpu.memory_space<vmem>> -> memref<2x128xi32, #tpu.memory_space<vmem>>
        %dma_wait3A_171 = arith.constant 0 : i32
        %dma_wait3A_172 = arith.constant 0 : i32
        %dma_wait3A_173 = tpu.memref_slice %arg3[%add3A_156, %dma_wait3A_171, %dma_wait3A_172] : memref<2528x2x128xi32, #tpu.memory_space<hbm>> -> memref<1x2x128xi32, #tpu.memory_space<hbm>>
        %dma_wait3A_174 = tpu.memref_squeeze %dma_wait3A_173 : memref<1x2x128xi32, #tpu.memory_space<hbm>> -> memref<2x128xi32, #tpu.memory_space<hbm>>
        tpu.wait_dma2 semaphore(%arg11 : memref<!tpu.dma_semaphore, #tpu.memory_space<semaphore_mem>>) src(%dma_wait3A_174 : memref<2x128xi32, #tpu.memory_space<hbm>>) dst(%dma_wait3A_170 : memref<2x128xi32, #tpu.memory_space<vmem>>)
        %add3A_175 = arith.constant 1 : i32
        %add3A_176 = arith.addi %while3A_110, %add3A_175 : i32
        %rem3A_177 = arith.constant 3 : i32
        %rem3A_178 = arith.remsi %add3A_176, %rem3A_177 : i32
        %rem3A_179 = arith.constant 3 : i32
        %rem3A_180 = arith.remsi %add3A_176, %rem3A_179 : i32
        %dma_start3A_181 = arith.constant 0 : i32
        %dma_start3A_182 = arith.constant 0 : i32
        %dma_start3A_183 = arith.constant 0 : i32
        %dma_start3A_184 = tpu.memref_slice %arg7[%rem3A_180, %dma_start3A_182, %dma_start3A_183] : memref<3x128x128xf32, #tpu.memory_space<vmem>> -> memref<1x128x128xf32, #tpu.memory_space<vmem>>
        %dma_start3A_185 = tpu.memref_squeeze %dma_start3A_184 : memref<1x128x128xf32, #tpu.memory_space<vmem>> -> memref<128x128xf32, #tpu.memory_space<vmem>>
        %dma_start3A_186 = arith.constant 0 : i32
        %dma_start3A_187 = tpu.memref_slice %arg6[%rem3A_178, %dma_start3A_181, %dma_start3A_186] : memref<3x2x128xi32, #tpu.memory_space<vmem>> -> memref<1x1x128xi32, #tpu.memory_space<vmem>>
        %dma_start3A_188 = tpu.memref_squeeze %dma_start3A_187 : memref<1x1x128xi32, #tpu.memory_space<vmem>> -> memref<128xi32, #tpu.memory_space<vmem>>
        %dma_start3A_189 = arith.constant 0 : i32
        %dma_start3A_190 = arith.constant 0 : i32
        %dma_start3A_191 = tpu.memref_slice %arg2[%dma_start3A_189, %dma_start3A_190] : memref<10112x128xf32, #tpu.memory_space<hbm>> -> memref<10112x128xf32, #tpu.memory_space<hbm>>
        tpu.enqueue_indirect_dma source(%dma_start3A_191 : memref<10112x128xf32, #tpu.memory_space<hbm>>) target(%dma_start3A_185 : memref<128x128xf32, #tpu.memory_space<vmem>>) offsets(%dma_start3A_188 : memref<128xi32, #tpu.memory_space<vmem>>) semaphore(%arg9 : memref<!tpu.dma_semaphore, #tpu.memory_space<semaphore_mem>>)
      } else {
      }
    }
    %while3A_75 = arith.constant 1 : i32
    scf.for %while3A_110 = %while3A_73 to %while3A_69 step %while3A_75  : i32 {
      %gt3A = arith.constant 1 : i32
      %gt3A_111 = arith.cmpi sgt, %while3A_110, %gt3A : i32
      %convert_element_type3A = arith.extui %gt3A_111 : i1 to i32
      %cond3A = arith.constant 0 : i32
      %cond3A_112 = arith.cmpi ne, %convert_element_type3A, %cond3A : i32
      scf.if %cond3A_112 {
        %sub3A_154 = arith.constant 2 : i32
        %sub3A_155 = arith.subi %while3A_110, %sub3A_154 : i32
        %rem3A_156 = arith.constant 3 : i32
        %rem3A_157 = arith.remsi %sub3A_155, %rem3A_156 : i32
        %rem3A_158 = arith.constant 3 : i32
        %rem3A_159 = arith.remsi %sub3A_155, %rem3A_158 : i32
        %dma_wait3A_160 = arith.constant 1 : i32
        %dma_wait3A_161 = arith.constant 0 : i32
        %dma_wait3A_162 = arith.constant 0 : i32
        %dma_wait3A_163 = tpu.memref_slice %arg7[%rem3A_157, %dma_wait3A_161, %dma_wait3A_162] : memref<3x128x128xf32, #tpu.memory_space<vmem>> -> memref<1x128x128xf32, #tpu.memory_space<vmem>>
        %dma_wait3A_164 = tpu.memref_squeeze %dma_wait3A_163 : memref<1x128x128xf32, #tpu.memory_space<vmem>> -> memref<128x128xf32, #tpu.memory_space<vmem>>
        %dma_wait3A_165 = arith.constant 0 : i32
        %dma_wait3A_166 = tpu.memref_slice %arg6[%rem3A_159, %dma_wait3A_160, %dma_wait3A_165] : memref<3x2x128xi32, #tpu.memory_space<vmem>> -> memref<1x1x128xi32, #tpu.memory_space<vmem>>
        %dma_wait3A_167 = tpu.memref_squeeze %dma_wait3A_166 : memref<1x1x128xi32, #tpu.memory_space<vmem>> -> memref<128xi32, #tpu.memory_space<vmem>>
        %dma_wait3A_168 = arith.constant 0 : i32
        %dma_wait3A_169 = arith.constant 0 : i32
        %dma_wait3A_170 = tpu.memref_slice %arg8[%dma_wait3A_168, %dma_wait3A_169] : memref<10112x128xf32, #tpu.memory_space<vmem_shared>> -> memref<10112x128xf32, #tpu.memory_space<vmem_shared>>
        tpu.wait_indirect_dma semaphore(%arg10 : memref<!tpu.dma_semaphore, #tpu.memory_space<semaphore_mem>>) src(%dma_wait3A_164 : memref<128x128xf32, #tpu.memory_space<vmem>>) dst(%dma_wait3A_170 : memref<10112x128xf32, #tpu.memory_space<vmem_shared>>)
      } else {
      }
      %add3A_113 = arith.constant 1 : i32
      %add3A_114 = arith.addi %while3A_110, %add3A_113 : i32
      %lt3A = arith.cmpi slt, %add3A_114, %select_n3A : i32
      %convert_element_type3A_115 = arith.extui %lt3A : i1 to i32
      %cond3A_116 = arith.constant 0 : i32
      %cond3A_117 = arith.cmpi ne, %convert_element_type3A_115, %cond3A_116 : i32
      scf.if %cond3A_117 {
        %add3A_154 = arith.constant 1 : i32
        %add3A_155 = arith.addi %while3A_110, %add3A_154 : i32
        %add3A_156 = arith.addi %select_n3A_8, %add3A_155 : i32
        %rem3A_157 = arith.constant 3 : i32
        %rem3A_158 = arith.remsi %add3A_155, %rem3A_157 : i32
        %dma_start3A_159 = arith.constant 0 : i32
        %dma_start3A_160 = arith.constant 0 : i32
        %dma_start3A_161 = tpu.memref_slice %arg6[%rem3A_158, %dma_start3A_159, %dma_start3A_160] : memref<3x2x128xi32, #tpu.memory_space<vmem>> -> memref<1x2x128xi32, #tpu.memory_space<vmem>>
        %dma_start3A_162 = tpu.memref_squeeze %dma_start3A_161 : memref<1x2x128xi32, #tpu.memory_space<vmem>> -> memref<2x128xi32, #tpu.memory_space<vmem>>
        %dma_start3A_163 = arith.constant 0 : i32
        %dma_start3A_164 = arith.constant 0 : i32
        %dma_start3A_165 = tpu.memref_slice %arg3[%add3A_156, %dma_start3A_163, %dma_start3A_164] : memref<2528x2x128xi32, #tpu.memory_space<hbm>> -> memref<1x2x128xi32, #tpu.memory_space<hbm>>
        %dma_start3A_166 = tpu.memref_squeeze %dma_start3A_165 : memref<1x2x128xi32, #tpu.memory_space<hbm>> -> memref<2x128xi32, #tpu.memory_space<hbm>>
        %dma_start3A_167 = arith.constant 0 : i32
        %dma_start3A_168 = arith.constant 0 : i32
        %dma_start3A_169 = tpu.memref_slice %arg6[%rem3A_158, %dma_start3A_167, %dma_start3A_168] : memref<3x2x128xi32, #tpu.memory_space<vmem>> -> memref<1x2x128xi32, #tpu.memory_space<vmem>>
        %dma_start3A_170 = tpu.memref_squeeze %dma_start3A_169 : memref<1x2x128xi32, #tpu.memory_space<vmem>> -> memref<2x128xi32, #tpu.memory_space<vmem>>
        %dma_start3A_171 = arith.constant 0 : i32
        %dma_start3A_172 = arith.constant 0 : i32
        %dma_start3A_173 = tpu.memref_slice %arg3[%add3A_156, %dma_start3A_171, %dma_start3A_172] : memref<2528x2x128xi32, #tpu.memory_space<hbm>> -> memref<1x2x128xi32, #tpu.memory_space<hbm>>
        %dma_start3A_174 = tpu.memref_squeeze %dma_start3A_173 : memref<1x2x128xi32, #tpu.memory_space<hbm>> -> memref<2x128xi32, #tpu.memory_space<hbm>>
        tpu.enqueue_dma source(%dma_start3A_174 : memref<2x128xi32, #tpu.memory_space<hbm>>) target(%dma_start3A_170 : memref<2x128xi32, #tpu.memory_space<vmem>>) target_semaphore(%arg11 : memref<!tpu.dma_semaphore, #tpu.memory_space<semaphore_mem>>)
      } else {
      }
      %rem3A_118 = arith.constant 3 : i32
      %rem3A_119 = arith.remsi %while3A_110, %rem3A_118 : i32
      %rem3A_120 = arith.constant 3 : i32
      %rem3A_121 = arith.remsi %while3A_110, %rem3A_120 : i32
      %dma_wait3A_122 = arith.constant 0 : i32
      %dma_wait3A_123 = arith.constant 0 : i32
      %dma_wait3A_124 = arith.constant 0 : i32
      %dma_wait3A_125 = tpu.memref_slice %arg7[%rem3A_121, %dma_wait3A_123, %dma_wait3A_124] : memref<3x128x128xf32, #tpu.memory_space<vmem>> -> memref<1x128x128xf32, #tpu.memory_space<vmem>>
      %dma_wait3A_126 = tpu.memref_squeeze %dma_wait3A_125 : memref<1x128x128xf32, #tpu.memory_space<vmem>> -> memref<128x128xf32, #tpu.memory_space<vmem>>
      %dma_wait3A_127 = arith.constant 0 : i32
      %dma_wait3A_128 = tpu.memref_slice %arg6[%rem3A_119, %dma_wait3A_122, %dma_wait3A_127] : memref<3x2x128xi32, #tpu.memory_space<vmem>> -> memref<1x1x128xi32, #tpu.memory_space<vmem>>
      %dma_wait3A_129 = tpu.memref_squeeze %dma_wait3A_128 : memref<1x1x128xi32, #tpu.memory_space<vmem>> -> memref<128xi32, #tpu.memory_space<vmem>>
      %dma_wait3A_130 = arith.constant 0 : i32
      %dma_wait3A_131 = arith.constant 0 : i32
      %dma_wait3A_132 = tpu.memref_slice %arg2[%dma_wait3A_130, %dma_wait3A_131] : memref<10112x128xf32, #tpu.memory_space<hbm>> -> memref<10112x128xf32, #tpu.memory_space<hbm>>
      tpu.wait_indirect_dma semaphore(%arg9 : memref<!tpu.dma_semaphore, #tpu.memory_space<semaphore_mem>>) src(%dma_wait3A_132 : memref<10112x128xf32, #tpu.memory_space<hbm>>) dst(%dma_wait3A_126 : memref<128x128xf32, #tpu.memory_space<vmem>>)
      %rem3A_133 = arith.constant 3 : i32
      %rem3A_134 = arith.remsi %while3A_110, %rem3A_133 : i32
      %rem3A_135 = arith.constant 3 : i32
      %rem3A_136 = arith.remsi %while3A_110, %rem3A_135 : i32
      %dma_start3A_137 = arith.constant 1 : i32
      %dma_start3A_138 = arith.constant 0 : i32
      %dma_start3A_139 = arith.constant 0 : i32
      %dma_start3A_140 = tpu.memref_slice %arg7[%rem3A_134, %dma_start3A_138, %dma_start3A_139] : memref<3x128x128xf32, #tpu.memory_space<vmem>> -> memref<1x128x128xf32, #tpu.memory_space<vmem>>
      %dma_start3A_141 = tpu.memref_squeeze %dma_start3A_140 : memref<1x128x128xf32, #tpu.memory_space<vmem>> -> memref<128x128xf32, #tpu.memory_space<vmem>>
      %dma_start3A_142 = arith.constant 0 : i32
      %dma_start3A_143 = tpu.memref_slice %arg6[%rem3A_136, %dma_start3A_137, %dma_start3A_142] : memref<3x2x128xi32, #tpu.memory_space<vmem>> -> memref<1x1x128xi32, #tpu.memory_space<vmem>>
      %dma_start3A_144 = tpu.memref_squeeze %dma_start3A_143 : memref<1x1x128xi32, #tpu.memory_space<vmem>> -> memref<128xi32, #tpu.memory_space<vmem>>
      %dma_start3A_145 = arith.constant 0 : i32
      %dma_start3A_146 = arith.constant 0 : i32
      %dma_start3A_147 = tpu.memref_slice %arg8[%dma_start3A_145, %dma_start3A_146] : memref<10112x128xf32, #tpu.memory_space<vmem_shared>> -> memref<10112x128xf32, #tpu.memory_space<vmem_shared>>
      tpu.enqueue_indirect_dma source(%dma_start3A_141 : memref<128x128xf32, #tpu.memory_space<vmem>>) target(%dma_start3A_147 : memref<10112x128xf32, #tpu.memory_space<vmem_shared>>) offsets(%dma_start3A_144 : memref<128xi32, #tpu.memory_space<vmem>>) semaphore(%arg10 : memref<!tpu.dma_semaphore, #tpu.memory_space<semaphore_mem>>) {add = true}
      %add3A_148 = arith.constant 1 : i32
      %add3A_149 = arith.addi %while3A_110, %add3A_148 : i32
      %lt3A_150 = arith.cmpi slt, %add3A_149, %select_n3A : i32
      %convert_element_type3A_151 = arith.extui %lt3A_150 : i1 to i32
      %cond3A_152 = arith.constant 0 : i32
      %cond3A_153 = arith.cmpi ne, %convert_element_type3A_151, %cond3A_152 : i32
      scf.if %cond3A_153 {
        %add3A_154 = arith.constant 1 : i32
        %add3A_155 = arith.addi %while3A_110, %add3A_154 : i32
        %add3A_156 = arith.addi %select_n3A_8, %add3A_155 : i32
        %rem3A_157 = arith.constant 3 : i32
        %rem3A_158 = arith.remsi %add3A_155, %rem3A_157 : i32
        %dma_wait3A_159 = arith.constant 0 : i32
        %dma_wait3A_160 = arith.constant 0 : i32
        %dma_wait3A_161 = tpu.memref_slice %arg6[%rem3A_158, %dma_wait3A_159, %dma_wait3A_160] : memref<3x2x128xi32, #tpu.memory_space<vmem>> -> memref<1x2x128xi32, #tpu.memory_space<vmem>>
        %dma_wait3A_162 = tpu.memref_squeeze %dma_wait3A_161 : memref<1x2x128xi32, #tpu.memory_space<vmem>> -> memref<2x128xi32, #tpu.memory_space<vmem>>
        %dma_wait3A_163 = arith.constant 0 : i32
        %dma_wait3A_164 = arith.constant 0 : i32
        %dma_wait3A_165 = tpu.memref_slice %arg3[%add3A_156, %dma_wait3A_163, %dma_wait3A_164] : memref<2528x2x128xi32, #tpu.memory_space<hbm>> -> memref<1x2x128xi32, #tpu.memory_space<hbm>>
        %dma_wait3A_166 = tpu.memref_squeeze %dma_wait3A_165 : memref<1x2x128xi32, #tpu.memory_space<hbm>> -> memref<2x128xi32, #tpu.memory_space<hbm>>
        %dma_wait3A_167 = arith.constant 0 : i32
        %dma_wait3A_168 = arith.constant 0 : i32
        %dma_wait3A_169 = tpu.memref_slice %arg6[%rem3A_158, %dma_wait3A_167, %dma_wait3A_168] : memref<3x2x128xi32, #tpu.memory_space<vmem>> -> memref<1x2x128xi32, #tpu.memory_space<vmem>>
        %dma_wait3A_170 = tpu.memref_squeeze %dma_wait3A_169 : memref<1x2x128xi32, #tpu.memory_space<vmem>> -> memref<2x128xi32, #tpu.memory_space<vmem>>
        %dma_wait3A_171 = arith.constant 0 : i32
        %dma_wait3A_172 = arith.constant 0 : i32
        %dma_wait3A_173 = tpu.memref_slice %arg3[%add3A_156, %dma_wait3A_171, %dma_wait3A_172] : memref<2528x2x128xi32, #tpu.memory_space<hbm>> -> memref<1x2x128xi32, #tpu.memory_space<hbm>>
        %dma_wait3A_174 = tpu.memref_squeeze %dma_wait3A_173 : memref<1x2x128xi32, #tpu.memory_space<hbm>> -> memref<2x128xi32, #tpu.memory_space<hbm>>
        tpu.wait_dma2 semaphore(%arg11 : memref<!tpu.dma_semaphore, #tpu.memory_space<semaphore_mem>>) src(%dma_wait3A_174 : memref<2x128xi32, #tpu.memory_space<hbm>>) dst(%dma_wait3A_170 : memref<2x128xi32, #tpu.memory_space<vmem>>)
        %add3A_175 = arith.constant 1 : i32
        %add3A_176 = arith.addi %while3A_110, %add3A_175 : i32
        %rem3A_177 = arith.constant 3 : i32
        %rem3A_178 = arith.remsi %add3A_176, %rem3A_177 : i32
        %rem3A_179 = arith.constant 3 : i32
        %rem3A_180 = arith.remsi %add3A_176, %rem3A_179 : i32
        %dma_start3A_181 = arith.constant 0 : i32
        %dma_start3A_182 = arith.constant 0 : i32
        %dma_start3A_183 = arith.constant 0 : i32
        %dma_start3A_184 = tpu.memref_slice %arg7[%rem3A_180, %dma_start3A_182, %dma_start3A_183] : memref<3x128x128xf32, #tpu.memory_space<vmem>> -> memref<1x128x128xf32, #tpu.memory_space<vmem>>
        %dma_start3A_185 = tpu.memref_squeeze %dma_start3A_184 : memref<1x128x128xf32, #tpu.memory_space<vmem>> -> memref<128x128xf32, #tpu.memory_space<vmem>>
        %dma_start3A_186 = arith.constant 0 : i32
        %dma_start3A_187 = tpu.memref_slice %arg6[%rem3A_178, %dma_start3A_181, %dma_start3A_186] : memref<3x2x128xi32, #tpu.memory_space<vmem>> -> memref<1x1x128xi32, #tpu.memory_space<vmem>>
        %dma_start3A_188 = tpu.memref_squeeze %dma_start3A_187 : memref<1x1x128xi32, #tpu.memory_space<vmem>> -> memref<128xi32, #tpu.memory_space<vmem>>
        %dma_start3A_189 = arith.constant 0 : i32
        %dma_start3A_190 = arith.constant 0 : i32
        %dma_start3A_191 = tpu.memref_slice %arg2[%dma_start3A_189, %dma_start3A_190] : memref<10112x128xf32, #tpu.memory_space<hbm>> -> memref<10112x128xf32, #tpu.memory_space<hbm>>
        tpu.enqueue_indirect_dma source(%dma_start3A_191 : memref<10112x128xf32, #tpu.memory_space<hbm>>) target(%dma_start3A_185 : memref<128x128xf32, #tpu.memory_space<vmem>>) offsets(%dma_start3A_188 : memref<128xi32, #tpu.memory_space<vmem>>) semaphore(%arg9 : memref<!tpu.dma_semaphore, #tpu.memory_space<semaphore_mem>>)
      } else {
      }
    }
    %sub3A = arith.constant 2 : i32
    %sub3A_76 = arith.subi %select_n3A, %sub3A : i32
    %rem3A_77 = arith.constant 3 : i32
    %rem3A_78 = arith.remsi %sub3A_76, %rem3A_77 : i32
    %rem3A_79 = arith.constant 3 : i32
    %rem3A_80 = arith.remsi %sub3A_76, %rem3A_79 : i32
    %dma_wait3A_81 = arith.constant 1 : i32
    %dma_wait3A_82 = arith.constant 0 : i32
    %dma_wait3A_83 = arith.constant 0 : i32
    %dma_wait3A_84 = tpu.memref_slice %arg7[%rem3A_78, %dma_wait3A_82, %dma_wait3A_83] : memref<3x128x128xf32, #tpu.memory_space<vmem>> -> memref<1x128x128xf32, #tpu.memory_space<vmem>>
    %dma_wait3A_85 = tpu.memref_squeeze %dma_wait3A_84 : memref<1x128x128xf32, #tpu.memory_space<vmem>> -> memref<128x128xf32, #tpu.memory_space<vmem>>
    %dma_wait3A_86 = arith.constant 0 : i32
    %dma_wait3A_87 = tpu.memref_slice %arg6[%rem3A_80, %dma_wait3A_81, %dma_wait3A_86] : memref<3x2x128xi32, #tpu.memory_space<vmem>> -> memref<1x1x128xi32, #tpu.memory_space<vmem>>
    %dma_wait3A_88 = tpu.memref_squeeze %dma_wait3A_87 : memref<1x1x128xi32, #tpu.memory_space<vmem>> -> memref<128xi32, #tpu.memory_space<vmem>>
    %dma_wait3A_89 = arith.constant 0 : i32
    %dma_wait3A_90 = arith.constant 0 : i32
    %dma_wait3A_91 = tpu.memref_slice %arg8[%dma_wait3A_89, %dma_wait3A_90] : memref<10112x128xf32, #tpu.memory_space<vmem_shared>> -> memref<10112x128xf32, #tpu.memory_space<vmem_shared>>
    tpu.wait_indirect_dma semaphore(%arg10 : memref<!tpu.dma_semaphore, #tpu.memory_space<semaphore_mem>>) src(%dma_wait3A_85 : memref<128x128xf32, #tpu.memory_space<vmem>>) dst(%dma_wait3A_91 : memref<10112x128xf32, #tpu.memory_space<vmem_shared>>)
    %sub3A_92 = arith.constant 1 : i32
    %sub3A_93 = arith.subi %select_n3A, %sub3A_92 : i32
    %rem3A_94 = arith.constant 3 : i32
    %rem3A_95 = arith.remsi %sub3A_93, %rem3A_94 : i32
    %rem3A_96 = arith.constant 3 : i32
    %rem3A_97 = arith.remsi %sub3A_93, %rem3A_96 : i32
    %dma_wait3A_98 = arith.constant 1 : i32
    %dma_wait3A_99 = arith.constant 0 : i32
    %dma_wait3A_100 = arith.constant 0 : i32
    %dma_wait3A_101 = tpu.memref_slice %arg7[%rem3A_95, %dma_wait3A_99, %dma_wait3A_100] : memref<3x128x128xf32, #tpu.memory_space<vmem>> -> memref<1x128x128xf32, #tpu.memory_space<vmem>>
    %dma_wait3A_102 = tpu.memref_squeeze %dma_wait3A_101 : memref<1x128x128xf32, #tpu.memory_space<vmem>> -> memref<128x128xf32, #tpu.memory_space<vmem>>
    %dma_wait3A_103 = arith.constant 0 : i32
    %dma_wait3A_104 = tpu.memref_slice %arg6[%rem3A_97, %dma_wait3A_98, %dma_wait3A_103] : memref<3x2x128xi32, #tpu.memory_space<vmem>> -> memref<1x1x128xi32, #tpu.memory_space<vmem>>
    %dma_wait3A_105 = tpu.memref_squeeze %dma_wait3A_104 : memref<1x1x128xi32, #tpu.memory_space<vmem>> -> memref<128xi32, #tpu.memory_space<vmem>>
    %dma_wait3A_106 = arith.constant 0 : i32
    %dma_wait3A_107 = arith.constant 0 : i32
    %dma_wait3A_108 = tpu.memref_slice %arg8[%dma_wait3A_106, %dma_wait3A_107] : memref<10112x128xf32, #tpu.memory_space<vmem_shared>> -> memref<10112x128xf32, #tpu.memory_space<vmem_shared>>
    tpu.wait_indirect_dma semaphore(%arg10 : memref<!tpu.dma_semaphore, #tpu.memory_space<semaphore_mem>>) src(%dma_wait3A_102 : memref<128x128xf32, #tpu.memory_space<vmem>>) dst(%dma_wait3A_108 : memref<10112x128xf32, #tpu.memory_space<vmem_shared>>)
    %barrier3A_109 = arith.constant 0 : index
    tpu.barrier barrier_id(%barrier3A_109)
    "tpu.region"() ({
      %run_scoped3A = tpu.sem_alloc : memref<!tpu.dma_semaphore, #tpu.memory_space<semaphore_mem>>
      %dma_start3A_110 = arith.constant 0 : i32
      %dma_start3A_111 = tpu.memref_slice %arg5[%arg0, %mul3A_10, %dma_start3A_110] : memref<2x10112x128xf32, #tpu.memory_space<hbm>> -> memref<1x632x128xf32, #tpu.memory_space<hbm>>
      %dma_start3A_112 = tpu.memref_squeeze %dma_start3A_111 : memref<1x632x128xf32, #tpu.memory_space<hbm>> -> memref<632x128xf32, #tpu.memory_space<hbm>>
      %dma_start3A_113 = arith.constant 0 : i32
      %dma_start3A_114 = tpu.memref_slice %arg8[%mul3A_10, %dma_start3A_113] : memref<10112x128xf32, #tpu.memory_space<vmem_shared>> -> memref<632x128xf32, #tpu.memory_space<vmem_shared>>
      tpu.enqueue_dma source(%dma_start3A_114 : memref<632x128xf32, #tpu.memory_space<vmem_shared>>) target(%dma_start3A_112 : memref<632x128xf32, #tpu.memory_space<hbm>>) target_semaphore(%run_scoped3A : memref<!tpu.dma_semaphore, #tpu.memory_space<semaphore_mem>>)
      %dma_wait3A_115 = arith.constant 0 : i32
      %dma_wait3A_116 = tpu.memref_slice %arg5[%arg0, %mul3A_10, %dma_wait3A_115] : memref<2x10112x128xf32, #tpu.memory_space<hbm>> -> memref<1x632x128xf32, #tpu.memory_space<hbm>>
      %dma_wait3A_117 = tpu.memref_squeeze %dma_wait3A_116 : memref<1x632x128xf32, #tpu.memory_space<hbm>> -> memref<632x128xf32, #tpu.memory_space<hbm>>
      %dma_wait3A_118 = arith.constant 0 : i32
      %dma_wait3A_119 = tpu.memref_slice %arg8[%mul3A_10, %dma_wait3A_118] : memref<10112x128xf32, #tpu.memory_space<vmem_shared>> -> memref<632x128xf32, #tpu.memory_space<vmem_shared>>
      tpu.wait_dma2 semaphore(%run_scoped3A : memref<!tpu.dma_semaphore, #tpu.memory_space<semaphore_mem>>) src(%dma_wait3A_119 : memref<632x128xf32, #tpu.memory_space<vmem_shared>>) dst(%dma_wait3A_117 : memref<632x128xf32, #tpu.memory_space<hbm>>)
      tpu.yield
    }) : () -> ()
    return
  }
}

#map = affine_map<(d0, d1) -> (0, 0)>
#map1 = affine_map<(d0, d1) -> (0, 0, 0)>
module attributes {stable_mosaic.version = 14 : i64} {
  func.func @_sc_aggregate(%arg0: i32, %arg1: i32, %arg2: memref<10112x128xf32, #tpu.memory_space<hbm>>, %arg3: memref<2528x2x128xi32, #tpu.memory_space<hbm>>, %arg4: memref<632x128xf32, #tpu.memory_space<hbm>>, %arg5: memref<2x10112x128xf32, #tpu.memory_space<hbm>>, %arg6: memref<3x2x128xi32, #tpu.memory_space<vmem>>, %arg7: memref<3x128x128xf32, #tpu.memory_space<vmem>>, %arg8: memref<10112x128xf32, #tpu.memory_space<vmem_shared>>, %arg9: memref<!tpu.dma_semaphore, #tpu.memory_space<semaphore_mem>>, %arg10: memref<!tpu.dma_semaphore, #tpu.memory_space<semaphore_mem>>, %arg11: memref<!tpu.dma_semaphore, #tpu.memory_space<semaphore_mem>>) attributes {dimension_semantics = [#tpu.dimension_semantics<core_parallel>, #tpu.dimension_semantics<subcore_parallel>], iteration_bounds = array<i64: 2, 16>, scalar_prefetch = 0 : i64, scratch_operands = 6 : i64, tpu.core_type = #tpu.core_type<sc_vector_subcore>, window_params = [{transform_indices = #map}, {transform_indices = #map1}, {transform_indices = #map}, {transform_indices = #map1}]} {
    %eq3A = arith.constant 0 : i32
    %eq3A_0 = arith.cmpi eq, %arg0, %eq3A : i32
    %jit3A = arith.constant 126 : i32
    %jit3A_1 = arith.constant 32 : i32
    %select_n3A = arith.select %eq3A_0, %jit3A, %jit3A_1 : i32
    %eq3A_2 = arith.constant 0 : i32
    %eq3A_3 = arith.cmpi eq, %arg0, %eq3A_2 : i32
    %mul3A = arith.constant 126 : i32
    %mul3A_4 = arith.muli %arg1, %mul3A : i32
    %mul3A_5 = arith.constant 32 : i32
    %mul3A_6 = arith.muli %arg1, %mul3A_5 : i32
    %add3A = arith.constant 2016 : i32
    %add3A_7 = arith.addi %add3A, %mul3A_6 : i32
    %select_n3A_8 = arith.select %eq3A_3, %mul3A_4, %add3A_7 : i32
    %mul3A_9 = arith.constant 632 : i32
    %mul3A_10 = arith.muli %arg1, %mul3A_9 : i32
    "tpu.region"() ({
      %run_scoped3A = tpu.sem_alloc : memref<!tpu.dma_semaphore, #tpu.memory_space<semaphore_mem>>
      %dma_start3A_110 = arith.constant 0 : i32
      %dma_start3A_111 = tpu.memref_slice %arg8[%mul3A_10, %dma_start3A_110] : memref<10112x128xf32, #tpu.memory_space<vmem_shared>> -> memref<632x128xf32, #tpu.memory_space<vmem_shared>>
      tpu.enqueue_dma source(%arg4 : memref<632x128xf32, #tpu.memory_space<hbm>>) target(%dma_start3A_111 : memref<632x128xf32, #tpu.memory_space<vmem_shared>>) target_semaphore(%run_scoped3A : memref<!tpu.dma_semaphore, #tpu.memory_space<semaphore_mem>>)
      %dma_wait3A_112 = arith.constant 0 : i32
      %dma_wait3A_113 = tpu.memref_slice %arg8[%mul3A_10, %dma_wait3A_112] : memref<10112x128xf32, #tpu.memory_space<vmem_shared>> -> memref<632x128xf32, #tpu.memory_space<vmem_shared>>
      tpu.wait_dma2 semaphore(%run_scoped3A : memref<!tpu.dma_semaphore, #tpu.memory_space<semaphore_mem>>) src(%arg4 : memref<632x128xf32, #tpu.memory_space<hbm>>) dst(%dma_wait3A_113 : memref<632x128xf32, #tpu.memory_space<vmem_shared>>)
      tpu.yield
    }) : () -> ()
    %barrier3A = arith.constant 0 : index
    tpu.barrier barrier_id(%barrier3A)
    %add3A_11 = arith.constant 0 : i32
    %add3A_12 = arith.addi %select_n3A_8, %add3A_11 : i32
    %rem3A = arith.constant 0 : i32
    %rem3A_13 = arith.constant 3 : i32
    %rem3A_14 = arith.remsi %rem3A, %rem3A_13 : i32
    %dma_start3A = arith.constant 0 : i32
    %dma_start3A_15 = arith.constant 0 : i32
    %dma_start3A_16 = tpu.memref_slice %arg6[%rem3A_14, %dma_start3A, %dma_start3A_15] : memref<3x2x128xi32, #tpu.memory_space<vmem>> -> memref<1x2x128xi32, #tpu.memory_space<vmem>>
    %dma_start3A_17 = tpu.memref_squeeze %dma_start3A_16 : memref<1x2x128xi32, #tpu.memory_space<vmem>> -> memref<2x128xi32, #tpu.memory_space<vmem>>
    %dma_start3A_18 = arith.constant 0 : i32
    %dma_start3A_19 = arith.constant 0 : i32
    %dma_start3A_20 = tpu.memref_slice %arg3[%add3A_12, %dma_start3A_18, %dma_start3A_19] : memref<2528x2x128xi32, #tpu.memory_space<hbm>> -> memref<1x2x128xi32, #tpu.memory_space<hbm>>
    %dma_start3A_21 = tpu.memref_squeeze %dma_start3A_20 : memref<1x2x128xi32, #tpu.memory_space<hbm>> -> memref<2x128xi32, #tpu.memory_space<hbm>>
    %dma_start3A_22 = arith.constant 0 : i32
    %dma_start3A_23 = arith.constant 0 : i32
    %dma_start3A_24 = tpu.memref_slice %arg6[%rem3A_14, %dma_start3A_22, %dma_start3A_23] : memref<3x2x128xi32, #tpu.memory_space<vmem>> -> memref<1x2x128xi32, #tpu.memory_space<vmem>>
    %dma_start3A_25 = tpu.memref_squeeze %dma_start3A_24 : memref<1x2x128xi32, #tpu.memory_space<vmem>> -> memref<2x128xi32, #tpu.memory_space<vmem>>
    %dma_start3A_26 = arith.constant 0 : i32
    %dma_start3A_27 = arith.constant 0 : i32
    %dma_start3A_28 = tpu.memref_slice %arg3[%add3A_12, %dma_start3A_26, %dma_start3A_27] : memref<2528x2x128xi32, #tpu.memory_space<hbm>> -> memref<1x2x128xi32, #tpu.memory_space<hbm>>
    %dma_start3A_29 = tpu.memref_squeeze %dma_start3A_28 : memref<1x2x128xi32, #tpu.memory_space<hbm>> -> memref<2x128xi32, #tpu.memory_space<hbm>>
    tpu.enqueue_dma source(%dma_start3A_29 : memref<2x128xi32, #tpu.memory_space<hbm>>) target(%dma_start3A_25 : memref<2x128xi32, #tpu.memory_space<vmem>>) target_semaphore(%arg11 : memref<!tpu.dma_semaphore, #tpu.memory_space<semaphore_mem>>)
    %add3A_30 = arith.constant 0 : i32
    %add3A_31 = arith.addi %select_n3A_8, %add3A_30 : i32
    %rem3A_32 = arith.constant 0 : i32
    %rem3A_33 = arith.constant 3 : i32
    %rem3A_34 = arith.remsi %rem3A_32, %rem3A_33 : i32
    %dma_wait3A = arith.constant 0 : i32
    %dma_wait3A_35 = arith.constant 0 : i32
    %dma_wait3A_36 = tpu.memref_slice %arg6[%rem3A_34, %dma_wait3A, %dma_wait3A_35] : memref<3x2x128xi32, #tpu.memory_space<vmem>> -> memref<1x2x128xi32, #tpu.memory_space<vmem>>
    %dma_wait3A_37 = tpu.memref_squeeze %dma_wait3A_36 : memref<1x2x128xi32, #tpu.memory_space<vmem>> -> memref<2x128xi32, #tpu.memory_space<vmem>>
    %dma_wait3A_38 = arith.constant 0 : i32
    %dma_wait3A_39 = arith.constant 0 : i32
    %dma_wait3A_40 = tpu.memref_slice %arg3[%add3A_31, %dma_wait3A_38, %dma_wait3A_39] : memref<2528x2x128xi32, #tpu.memory_space<hbm>> -> memref<1x2x128xi32, #tpu.memory_space<hbm>>
    %dma_wait3A_41 = tpu.memref_squeeze %dma_wait3A_40 : memref<1x2x128xi32, #tpu.memory_space<hbm>> -> memref<2x128xi32, #tpu.memory_space<hbm>>
    %dma_wait3A_42 = arith.constant 0 : i32
    %dma_wait3A_43 = arith.constant 0 : i32
    %dma_wait3A_44 = tpu.memref_slice %arg6[%rem3A_34, %dma_wait3A_42, %dma_wait3A_43] : memref<3x2x128xi32, #tpu.memory_space<vmem>> -> memref<1x2x128xi32, #tpu.memory_space<vmem>>
    %dma_wait3A_45 = tpu.memref_squeeze %dma_wait3A_44 : memref<1x2x128xi32, #tpu.memory_space<vmem>> -> memref<2x128xi32, #tpu.memory_space<vmem>>
    %dma_wait3A_46 = arith.constant 0 : i32
    %dma_wait3A_47 = arith.constant 0 : i32
    %dma_wait3A_48 = tpu.memref_slice %arg3[%add3A_31, %dma_wait3A_46, %dma_wait3A_47] : memref<2528x2x128xi32, #tpu.memory_space<hbm>> -> memref<1x2x128xi32, #tpu.memory_space<hbm>>
    %dma_wait3A_49 = tpu.memref_squeeze %dma_wait3A_48 : memref<1x2x128xi32, #tpu.memory_space<hbm>> -> memref<2x128xi32, #tpu.memory_space<hbm>>
    tpu.wait_dma2 semaphore(%arg11 : memref<!tpu.dma_semaphore, #tpu.memory_space<semaphore_mem>>) src(%dma_wait3A_49 : memref<2x128xi32, #tpu.memory_space<hbm>>) dst(%dma_wait3A_45 : memref<2x128xi32, #tpu.memory_space<vmem>>)
    %rem3A_50 = arith.constant 0 : i32
    %rem3A_51 = arith.constant 3 : i32
    %rem3A_52 = arith.remsi %rem3A_50, %rem3A_51 : i32
    %rem3A_53 = arith.constant 0 : i32
    %rem3A_54 = arith.constant 3 : i32
    %rem3A_55 = arith.remsi %rem3A_53, %rem3A_54 : i32
    %dma_start3A_56 = arith.constant 0 : i32
    %dma_start3A_57 = arith.constant 0 : i32
    %dma_start3A_58 = arith.constant 0 : i32
    %dma_start3A_59 = tpu.memref_slice %arg7[%rem3A_55, %dma_start3A_57, %dma_start3A_58] : memref<3x128x128xf32, #tpu.memory_space<vmem>> -> memref<1x128x128xf32, #tpu.memory_space<vmem>>
    %dma_start3A_60 = tpu.memref_squeeze %dma_start3A_59 : memref<1x128x128xf32, #tpu.memory_space<vmem>> -> memref<128x128xf32, #tpu.memory_space<vmem>>
    %dma_start3A_61 = arith.constant 0 : i32
    %dma_start3A_62 = tpu.memref_slice %arg6[%rem3A_52, %dma_start3A_56, %dma_start3A_61] : memref<3x2x128xi32, #tpu.memory_space<vmem>> -> memref<1x1x128xi32, #tpu.memory_space<vmem>>
    %dma_start3A_63 = tpu.memref_squeeze %dma_start3A_62 : memref<1x1x128xi32, #tpu.memory_space<vmem>> -> memref<128xi32, #tpu.memory_space<vmem>>
    %dma_start3A_64 = arith.constant 0 : i32
    %dma_start3A_65 = arith.constant 0 : i32
    %dma_start3A_66 = tpu.memref_slice %arg2[%dma_start3A_64, %dma_start3A_65] : memref<10112x128xf32, #tpu.memory_space<hbm>> -> memref<10112x128xf32, #tpu.memory_space<hbm>>
    tpu.enqueue_indirect_dma source(%dma_start3A_66 : memref<10112x128xf32, #tpu.memory_space<hbm>>) target(%dma_start3A_60 : memref<128x128xf32, #tpu.memory_space<vmem>>) offsets(%dma_start3A_63 : memref<128xi32, #tpu.memory_space<vmem>>) semaphore(%arg9 : memref<!tpu.dma_semaphore, #tpu.memory_space<semaphore_mem>>)
    %while3A = arith.constant 0 : i32
    %while3A_67 = arith.constant 0 : i32
    %while3A_68 = arith.subi %select_n3A, %while3A_67 : i32
    %while3A_69 = arith.addi %while3A_67, %while3A_68 : i32
    %while3A_70 = arith.constant 1 : i32
    %while3A_71 = arith.divsi %while3A_68, %while3A_70 : i32
    %while3A_72 = arith.muli %while3A_71, %while3A_70 : i32
    %while3A_73 = arith.addi %while3A_67, %while3A_72 : i32
    %while3A_74 = arith.constant 1 : i32
    scf.for %while3A_110 = %while3A_67 to %while3A_73 step %while3A_74  : i32 {
      %gt3A = arith.constant 1 : i32
      %gt3A_111 = arith.cmpi sgt, %while3A_110, %gt3A : i32
      %convert_element_type3A = arith.extui %gt3A_111 : i1 to i32
      %cond3A = arith.constant 0 : i32
      %cond3A_112 = arith.cmpi ne, %convert_element_type3A, %cond3A : i32
      scf.if %cond3A_112 {
        %sub3A_154 = arith.constant 2 : i32
        %sub3A_155 = arith.subi %while3A_110, %sub3A_154 : i32
        %rem3A_156 = arith.constant 3 : i32
        %rem3A_157 = arith.remsi %sub3A_155, %rem3A_156 : i32
        %rem3A_158 = arith.constant 3 : i32
        %rem3A_159 = arith.remsi %sub3A_155, %rem3A_158 : i32
        %dma_wait3A_160 = arith.constant 1 : i32
        %dma_wait3A_161 = arith.constant 0 : i32
        %dma_wait3A_162 = arith.constant 0 : i32
        %dma_wait3A_163 = tpu.memref_slice %arg7[%rem3A_157, %dma_wait3A_161, %dma_wait3A_162] : memref<3x128x128xf32, #tpu.memory_space<vmem>> -> memref<1x128x128xf32, #tpu.memory_space<vmem>>
        %dma_wait3A_164 = tpu.memref_squeeze %dma_wait3A_163 : memref<1x128x128xf32, #tpu.memory_space<vmem>> -> memref<128x128xf32, #tpu.memory_space<vmem>>
        %dma_wait3A_165 = arith.constant 0 : i32
        %dma_wait3A_166 = tpu.memref_slice %arg6[%rem3A_159, %dma_wait3A_160, %dma_wait3A_165] : memref<3x2x128xi32, #tpu.memory_space<vmem>> -> memref<1x1x128xi32, #tpu.memory_space<vmem>>
        %dma_wait3A_167 = tpu.memref_squeeze %dma_wait3A_166 : memref<1x1x128xi32, #tpu.memory_space<vmem>> -> memref<128xi32, #tpu.memory_space<vmem>>
        %dma_wait3A_168 = arith.constant 0 : i32
        %dma_wait3A_169 = arith.constant 0 : i32
        %dma_wait3A_170 = tpu.memref_slice %arg8[%dma_wait3A_168, %dma_wait3A_169] : memref<10112x128xf32, #tpu.memory_space<vmem_shared>> -> memref<10112x128xf32, #tpu.memory_space<vmem_shared>>
        tpu.wait_indirect_dma semaphore(%arg10 : memref<!tpu.dma_semaphore, #tpu.memory_space<semaphore_mem>>) src(%dma_wait3A_164 : memref<128x128xf32, #tpu.memory_space<vmem>>) dst(%dma_wait3A_170 : memref<10112x128xf32, #tpu.memory_space<vmem_shared>>)
      } else {
      }
      %add3A_113 = arith.constant 1 : i32
      %add3A_114 = arith.addi %while3A_110, %add3A_113 : i32
      %lt3A = arith.cmpi slt, %add3A_114, %select_n3A : i32
      %convert_element_type3A_115 = arith.extui %lt3A : i1 to i32
      %cond3A_116 = arith.constant 0 : i32
      %cond3A_117 = arith.cmpi ne, %convert_element_type3A_115, %cond3A_116 : i32
      scf.if %cond3A_117 {
        %add3A_154 = arith.constant 1 : i32
        %add3A_155 = arith.addi %while3A_110, %add3A_154 : i32
        %add3A_156 = arith.addi %select_n3A_8, %add3A_155 : i32
        %rem3A_157 = arith.constant 3 : i32
        %rem3A_158 = arith.remsi %add3A_155, %rem3A_157 : i32
        %dma_start3A_159 = arith.constant 0 : i32
        %dma_start3A_160 = arith.constant 0 : i32
        %dma_start3A_161 = tpu.memref_slice %arg6[%rem3A_158, %dma_start3A_159, %dma_start3A_160] : memref<3x2x128xi32, #tpu.memory_space<vmem>> -> memref<1x2x128xi32, #tpu.memory_space<vmem>>
        %dma_start3A_162 = tpu.memref_squeeze %dma_start3A_161 : memref<1x2x128xi32, #tpu.memory_space<vmem>> -> memref<2x128xi32, #tpu.memory_space<vmem>>
        %dma_start3A_163 = arith.constant 0 : i32
        %dma_start3A_164 = arith.constant 0 : i32
        %dma_start3A_165 = tpu.memref_slice %arg3[%add3A_156, %dma_start3A_163, %dma_start3A_164] : memref<2528x2x128xi32, #tpu.memory_space<hbm>> -> memref<1x2x128xi32, #tpu.memory_space<hbm>>
        %dma_start3A_166 = tpu.memref_squeeze %dma_start3A_165 : memref<1x2x128xi32, #tpu.memory_space<hbm>> -> memref<2x128xi32, #tpu.memory_space<hbm>>
        %dma_start3A_167 = arith.constant 0 : i32
        %dma_start3A_168 = arith.constant 0 : i32
        %dma_start3A_169 = tpu.memref_slice %arg6[%rem3A_158, %dma_start3A_167, %dma_start3A_168] : memref<3x2x128xi32, #tpu.memory_space<vmem>> -> memref<1x2x128xi32, #tpu.memory_space<vmem>>
        %dma_start3A_170 = tpu.memref_squeeze %dma_start3A_169 : memref<1x2x128xi32, #tpu.memory_space<vmem>> -> memref<2x128xi32, #tpu.memory_space<vmem>>
        %dma_start3A_171 = arith.constant 0 : i32
        %dma_start3A_172 = arith.constant 0 : i32
        %dma_start3A_173 = tpu.memref_slice %arg3[%add3A_156, %dma_start3A_171, %dma_start3A_172] : memref<2528x2x128xi32, #tpu.memory_space<hbm>> -> memref<1x2x128xi32, #tpu.memory_space<hbm>>
        %dma_start3A_174 = tpu.memref_squeeze %dma_start3A_173 : memref<1x2x128xi32, #tpu.memory_space<hbm>> -> memref<2x128xi32, #tpu.memory_space<hbm>>
        tpu.enqueue_dma source(%dma_start3A_174 : memref<2x128xi32, #tpu.memory_space<hbm>>) target(%dma_start3A_170 : memref<2x128xi32, #tpu.memory_space<vmem>>) target_semaphore(%arg11 : memref<!tpu.dma_semaphore, #tpu.memory_space<semaphore_mem>>)
      } else {
      }
      %rem3A_118 = arith.constant 3 : i32
      %rem3A_119 = arith.remsi %while3A_110, %rem3A_118 : i32
      %rem3A_120 = arith.constant 3 : i32
      %rem3A_121 = arith.remsi %while3A_110, %rem3A_120 : i32
      %dma_wait3A_122 = arith.constant 0 : i32
      %dma_wait3A_123 = arith.constant 0 : i32
      %dma_wait3A_124 = arith.constant 0 : i32
      %dma_wait3A_125 = tpu.memref_slice %arg7[%rem3A_121, %dma_wait3A_123, %dma_wait3A_124] : memref<3x128x128xf32, #tpu.memory_space<vmem>> -> memref<1x128x128xf32, #tpu.memory_space<vmem>>
      %dma_wait3A_126 = tpu.memref_squeeze %dma_wait3A_125 : memref<1x128x128xf32, #tpu.memory_space<vmem>> -> memref<128x128xf32, #tpu.memory_space<vmem>>
      %dma_wait3A_127 = arith.constant 0 : i32
      %dma_wait3A_128 = tpu.memref_slice %arg6[%rem3A_119, %dma_wait3A_122, %dma_wait3A_127] : memref<3x2x128xi32, #tpu.memory_space<vmem>> -> memref<1x1x128xi32, #tpu.memory_space<vmem>>
      %dma_wait3A_129 = tpu.memref_squeeze %dma_wait3A_128 : memref<1x1x128xi32, #tpu.memory_space<vmem>> -> memref<128xi32, #tpu.memory_space<vmem>>
      %dma_wait3A_130 = arith.constant 0 : i32
      %dma_wait3A_131 = arith.constant 0 : i32
      %dma_wait3A_132 = tpu.memref_slice %arg2[%dma_wait3A_130, %dma_wait3A_131] : memref<10112x128xf32, #tpu.memory_space<hbm>> -> memref<10112x128xf32, #tpu.memory_space<hbm>>
      tpu.wait_indirect_dma semaphore(%arg9 : memref<!tpu.dma_semaphore, #tpu.memory_space<semaphore_mem>>) src(%dma_wait3A_132 : memref<10112x128xf32, #tpu.memory_space<hbm>>) dst(%dma_wait3A_126 : memref<128x128xf32, #tpu.memory_space<vmem>>)
      %rem3A_133 = arith.constant 3 : i32
      %rem3A_134 = arith.remsi %while3A_110, %rem3A_133 : i32
      %rem3A_135 = arith.constant 3 : i32
      %rem3A_136 = arith.remsi %while3A_110, %rem3A_135 : i32
      %dma_start3A_137 = arith.constant 1 : i32
      %dma_start3A_138 = arith.constant 0 : i32
      %dma_start3A_139 = arith.constant 0 : i32
      %dma_start3A_140 = tpu.memref_slice %arg7[%rem3A_134, %dma_start3A_138, %dma_start3A_139] : memref<3x128x128xf32, #tpu.memory_space<vmem>> -> memref<1x128x128xf32, #tpu.memory_space<vmem>>
      %dma_start3A_141 = tpu.memref_squeeze %dma_start3A_140 : memref<1x128x128xf32, #tpu.memory_space<vmem>> -> memref<128x128xf32, #tpu.memory_space<vmem>>
      %dma_start3A_142 = arith.constant 0 : i32
      %dma_start3A_143 = tpu.memref_slice %arg6[%rem3A_136, %dma_start3A_137, %dma_start3A_142] : memref<3x2x128xi32, #tpu.memory_space<vmem>> -> memref<1x1x128xi32, #tpu.memory_space<vmem>>
      %dma_start3A_144 = tpu.memref_squeeze %dma_start3A_143 : memref<1x1x128xi32, #tpu.memory_space<vmem>> -> memref<128xi32, #tpu.memory_space<vmem>>
      %dma_start3A_145 = arith.constant 0 : i32
      %dma_start3A_146 = arith.constant 0 : i32
      %dma_start3A_147 = tpu.memref_slice %arg8[%dma_start3A_145, %dma_start3A_146] : memref<10112x128xf32, #tpu.memory_space<vmem_shared>> -> memref<10112x128xf32, #tpu.memory_space<vmem_shared>>
      tpu.enqueue_indirect_dma source(%dma_start3A_141 : memref<128x128xf32, #tpu.memory_space<vmem>>) target(%dma_start3A_147 : memref<10112x128xf32, #tpu.memory_space<vmem_shared>>) offsets(%dma_start3A_144 : memref<128xi32, #tpu.memory_space<vmem>>) semaphore(%arg10 : memref<!tpu.dma_semaphore, #tpu.memory_space<semaphore_mem>>) {add = true}
      %add3A_148 = arith.constant 1 : i32
      %add3A_149 = arith.addi %while3A_110, %add3A_148 : i32
      %lt3A_150 = arith.cmpi slt, %add3A_149, %select_n3A : i32
      %convert_element_type3A_151 = arith.extui %lt3A_150 : i1 to i32
      %cond3A_152 = arith.constant 0 : i32
      %cond3A_153 = arith.cmpi ne, %convert_element_type3A_151, %cond3A_152 : i32
      scf.if %cond3A_153 {
        %add3A_154 = arith.constant 1 : i32
        %add3A_155 = arith.addi %while3A_110, %add3A_154 : i32
        %add3A_156 = arith.addi %select_n3A_8, %add3A_155 : i32
        %rem3A_157 = arith.constant 3 : i32
        %rem3A_158 = arith.remsi %add3A_155, %rem3A_157 : i32
        %dma_wait3A_159 = arith.constant 0 : i32
        %dma_wait3A_160 = arith.constant 0 : i32
        %dma_wait3A_161 = tpu.memref_slice %arg6[%rem3A_158, %dma_wait3A_159, %dma_wait3A_160] : memref<3x2x128xi32, #tpu.memory_space<vmem>> -> memref<1x2x128xi32, #tpu.memory_space<vmem>>
        %dma_wait3A_162 = tpu.memref_squeeze %dma_wait3A_161 : memref<1x2x128xi32, #tpu.memory_space<vmem>> -> memref<2x128xi32, #tpu.memory_space<vmem>>
        %dma_wait3A_163 = arith.constant 0 : i32
        %dma_wait3A_164 = arith.constant 0 : i32
        %dma_wait3A_165 = tpu.memref_slice %arg3[%add3A_156, %dma_wait3A_163, %dma_wait3A_164] : memref<2528x2x128xi32, #tpu.memory_space<hbm>> -> memref<1x2x128xi32, #tpu.memory_space<hbm>>
        %dma_wait3A_166 = tpu.memref_squeeze %dma_wait3A_165 : memref<1x2x128xi32, #tpu.memory_space<hbm>> -> memref<2x128xi32, #tpu.memory_space<hbm>>
        %dma_wait3A_167 = arith.constant 0 : i32
        %dma_wait3A_168 = arith.constant 0 : i32
        %dma_wait3A_169 = tpu.memref_slice %arg6[%rem3A_158, %dma_wait3A_167, %dma_wait3A_168] : memref<3x2x128xi32, #tpu.memory_space<vmem>> -> memref<1x2x128xi32, #tpu.memory_space<vmem>>
        %dma_wait3A_170 = tpu.memref_squeeze %dma_wait3A_169 : memref<1x2x128xi32, #tpu.memory_space<vmem>> -> memref<2x128xi32, #tpu.memory_space<vmem>>
        %dma_wait3A_171 = arith.constant 0 : i32
        %dma_wait3A_172 = arith.constant 0 : i32
        %dma_wait3A_173 = tpu.memref_slice %arg3[%add3A_156, %dma_wait3A_171, %dma_wait3A_172] : memref<2528x2x128xi32, #tpu.memory_space<hbm>> -> memref<1x2x128xi32, #tpu.memory_space<hbm>>
        %dma_wait3A_174 = tpu.memref_squeeze %dma_wait3A_173 : memref<1x2x128xi32, #tpu.memory_space<hbm>> -> memref<2x128xi32, #tpu.memory_space<hbm>>
        tpu.wait_dma2 semaphore(%arg11 : memref<!tpu.dma_semaphore, #tpu.memory_space<semaphore_mem>>) src(%dma_wait3A_174 : memref<2x128xi32, #tpu.memory_space<hbm>>) dst(%dma_wait3A_170 : memref<2x128xi32, #tpu.memory_space<vmem>>)
        %add3A_175 = arith.constant 1 : i32
        %add3A_176 = arith.addi %while3A_110, %add3A_175 : i32
        %rem3A_177 = arith.constant 3 : i32
        %rem3A_178 = arith.remsi %add3A_176, %rem3A_177 : i32
        %rem3A_179 = arith.constant 3 : i32
        %rem3A_180 = arith.remsi %add3A_176, %rem3A_179 : i32
        %dma_start3A_181 = arith.constant 0 : i32
        %dma_start3A_182 = arith.constant 0 : i32
        %dma_start3A_183 = arith.constant 0 : i32
        %dma_start3A_184 = tpu.memref_slice %arg7[%rem3A_180, %dma_start3A_182, %dma_start3A_183] : memref<3x128x128xf32, #tpu.memory_space<vmem>> -> memref<1x128x128xf32, #tpu.memory_space<vmem>>
        %dma_start3A_185 = tpu.memref_squeeze %dma_start3A_184 : memref<1x128x128xf32, #tpu.memory_space<vmem>> -> memref<128x128xf32, #tpu.memory_space<vmem>>
        %dma_start3A_186 = arith.constant 0 : i32
        %dma_start3A_187 = tpu.memref_slice %arg6[%rem3A_178, %dma_start3A_181, %dma_start3A_186] : memref<3x2x128xi32, #tpu.memory_space<vmem>> -> memref<1x1x128xi32, #tpu.memory_space<vmem>>
        %dma_start3A_188 = tpu.memref_squeeze %dma_start3A_187 : memref<1x1x128xi32, #tpu.memory_space<vmem>> -> memref<128xi32, #tpu.memory_space<vmem>>
        %dma_start3A_189 = arith.constant 0 : i32
        %dma_start3A_190 = arith.constant 0 : i32
        %dma_start3A_191 = tpu.memref_slice %arg2[%dma_start3A_189, %dma_start3A_190] : memref<10112x128xf32, #tpu.memory_space<hbm>> -> memref<10112x128xf32, #tpu.memory_space<hbm>>
        tpu.enqueue_indirect_dma source(%dma_start3A_191 : memref<10112x128xf32, #tpu.memory_space<hbm>>) target(%dma_start3A_185 : memref<128x128xf32, #tpu.memory_space<vmem>>) offsets(%dma_start3A_188 : memref<128xi32, #tpu.memory_space<vmem>>) semaphore(%arg9 : memref<!tpu.dma_semaphore, #tpu.memory_space<semaphore_mem>>)
      } else {
      }
    }
    %while3A_75 = arith.constant 1 : i32
    scf.for %while3A_110 = %while3A_73 to %while3A_69 step %while3A_75  : i32 {
      %gt3A = arith.constant 1 : i32
      %gt3A_111 = arith.cmpi sgt, %while3A_110, %gt3A : i32
      %convert_element_type3A = arith.extui %gt3A_111 : i1 to i32
      %cond3A = arith.constant 0 : i32
      %cond3A_112 = arith.cmpi ne, %convert_element_type3A, %cond3A : i32
      scf.if %cond3A_112 {
        %sub3A_154 = arith.constant 2 : i32
        %sub3A_155 = arith.subi %while3A_110, %sub3A_154 : i32
        %rem3A_156 = arith.constant 3 : i32
        %rem3A_157 = arith.remsi %sub3A_155, %rem3A_156 : i32
        %rem3A_158 = arith.constant 3 : i32
        %rem3A_159 = arith.remsi %sub3A_155, %rem3A_158 : i32
        %dma_wait3A_160 = arith.constant 1 : i32
        %dma_wait3A_161 = arith.constant 0 : i32
        %dma_wait3A_162 = arith.constant 0 : i32
        %dma_wait3A_163 = tpu.memref_slice %arg7[%rem3A_157, %dma_wait3A_161, %dma_wait3A_162] : memref<3x128x128xf32, #tpu.memory_space<vmem>> -> memref<1x128x128xf32, #tpu.memory_space<vmem>>
        %dma_wait3A_164 = tpu.memref_squeeze %dma_wait3A_163 : memref<1x128x128xf32, #tpu.memory_space<vmem>> -> memref<128x128xf32, #tpu.memory_space<vmem>>
        %dma_wait3A_165 = arith.constant 0 : i32
        %dma_wait3A_166 = tpu.memref_slice %arg6[%rem3A_159, %dma_wait3A_160, %dma_wait3A_165] : memref<3x2x128xi32, #tpu.memory_space<vmem>> -> memref<1x1x128xi32, #tpu.memory_space<vmem>>
        %dma_wait3A_167 = tpu.memref_squeeze %dma_wait3A_166 : memref<1x1x128xi32, #tpu.memory_space<vmem>> -> memref<128xi32, #tpu.memory_space<vmem>>
        %dma_wait3A_168 = arith.constant 0 : i32
        %dma_wait3A_169 = arith.constant 0 : i32
        %dma_wait3A_170 = tpu.memref_slice %arg8[%dma_wait3A_168, %dma_wait3A_169] : memref<10112x128xf32, #tpu.memory_space<vmem_shared>> -> memref<10112x128xf32, #tpu.memory_space<vmem_shared>>
        tpu.wait_indirect_dma semaphore(%arg10 : memref<!tpu.dma_semaphore, #tpu.memory_space<semaphore_mem>>) src(%dma_wait3A_164 : memref<128x128xf32, #tpu.memory_space<vmem>>) dst(%dma_wait3A_170 : memref<10112x128xf32, #tpu.memory_space<vmem_shared>>)
      } else {
      }
      %add3A_113 = arith.constant 1 : i32
      %add3A_114 = arith.addi %while3A_110, %add3A_113 : i32
      %lt3A = arith.cmpi slt, %add3A_114, %select_n3A : i32
      %convert_element_type3A_115 = arith.extui %lt3A : i1 to i32
      %cond3A_116 = arith.constant 0 : i32
      %cond3A_117 = arith.cmpi ne, %convert_element_type3A_115, %cond3A_116 : i32
      scf.if %cond3A_117 {
        %add3A_154 = arith.constant 1 : i32
        %add3A_155 = arith.addi %while3A_110, %add3A_154 : i32
        %add3A_156 = arith.addi %select_n3A_8, %add3A_155 : i32
        %rem3A_157 = arith.constant 3 : i32
        %rem3A_158 = arith.remsi %add3A_155, %rem3A_157 : i32
        %dma_start3A_159 = arith.constant 0 : i32
        %dma_start3A_160 = arith.constant 0 : i32
        %dma_start3A_161 = tpu.memref_slice %arg6[%rem3A_158, %dma_start3A_159, %dma_start3A_160] : memref<3x2x128xi32, #tpu.memory_space<vmem>> -> memref<1x2x128xi32, #tpu.memory_space<vmem>>
        %dma_start3A_162 = tpu.memref_squeeze %dma_start3A_161 : memref<1x2x128xi32, #tpu.memory_space<vmem>> -> memref<2x128xi32, #tpu.memory_space<vmem>>
        %dma_start3A_163 = arith.constant 0 : i32
        %dma_start3A_164 = arith.constant 0 : i32
        %dma_start3A_165 = tpu.memref_slice %arg3[%add3A_156, %dma_start3A_163, %dma_start3A_164] : memref<2528x2x128xi32, #tpu.memory_space<hbm>> -> memref<1x2x128xi32, #tpu.memory_space<hbm>>
        %dma_start3A_166 = tpu.memref_squeeze %dma_start3A_165 : memref<1x2x128xi32, #tpu.memory_space<hbm>> -> memref<2x128xi32, #tpu.memory_space<hbm>>
        %dma_start3A_167 = arith.constant 0 : i32
        %dma_start3A_168 = arith.constant 0 : i32
        %dma_start3A_169 = tpu.memref_slice %arg6[%rem3A_158, %dma_start3A_167, %dma_start3A_168] : memref<3x2x128xi32, #tpu.memory_space<vmem>> -> memref<1x2x128xi32, #tpu.memory_space<vmem>>
        %dma_start3A_170 = tpu.memref_squeeze %dma_start3A_169 : memref<1x2x128xi32, #tpu.memory_space<vmem>> -> memref<2x128xi32, #tpu.memory_space<vmem>>
        %dma_start3A_171 = arith.constant 0 : i32
        %dma_start3A_172 = arith.constant 0 : i32
        %dma_start3A_173 = tpu.memref_slice %arg3[%add3A_156, %dma_start3A_171, %dma_start3A_172] : memref<2528x2x128xi32, #tpu.memory_space<hbm>> -> memref<1x2x128xi32, #tpu.memory_space<hbm>>
        %dma_start3A_174 = tpu.memref_squeeze %dma_start3A_173 : memref<1x2x128xi32, #tpu.memory_space<hbm>> -> memref<2x128xi32, #tpu.memory_space<hbm>>
        tpu.enqueue_dma source(%dma_start3A_174 : memref<2x128xi32, #tpu.memory_space<hbm>>) target(%dma_start3A_170 : memref<2x128xi32, #tpu.memory_space<vmem>>) target_semaphore(%arg11 : memref<!tpu.dma_semaphore, #tpu.memory_space<semaphore_mem>>)
      } else {
      }
      %rem3A_118 = arith.constant 3 : i32
      %rem3A_119 = arith.remsi %while3A_110, %rem3A_118 : i32
      %rem3A_120 = arith.constant 3 : i32
      %rem3A_121 = arith.remsi %while3A_110, %rem3A_120 : i32
      %dma_wait3A_122 = arith.constant 0 : i32
      %dma_wait3A_123 = arith.constant 0 : i32
      %dma_wait3A_124 = arith.constant 0 : i32
      %dma_wait3A_125 = tpu.memref_slice %arg7[%rem3A_121, %dma_wait3A_123, %dma_wait3A_124] : memref<3x128x128xf32, #tpu.memory_space<vmem>> -> memref<1x128x128xf32, #tpu.memory_space<vmem>>
      %dma_wait3A_126 = tpu.memref_squeeze %dma_wait3A_125 : memref<1x128x128xf32, #tpu.memory_space<vmem>> -> memref<128x128xf32, #tpu.memory_space<vmem>>
      %dma_wait3A_127 = arith.constant 0 : i32
      %dma_wait3A_128 = tpu.memref_slice %arg6[%rem3A_119, %dma_wait3A_122, %dma_wait3A_127] : memref<3x2x128xi32, #tpu.memory_space<vmem>> -> memref<1x1x128xi32, #tpu.memory_space<vmem>>
      %dma_wait3A_129 = tpu.memref_squeeze %dma_wait3A_128 : memref<1x1x128xi32, #tpu.memory_space<vmem>> -> memref<128xi32, #tpu.memory_space<vmem>>
      %dma_wait3A_130 = arith.constant 0 : i32
      %dma_wait3A_131 = arith.constant 0 : i32
      %dma_wait3A_132 = tpu.memref_slice %arg2[%dma_wait3A_130, %dma_wait3A_131] : memref<10112x128xf32, #tpu.memory_space<hbm>> -> memref<10112x128xf32, #tpu.memory_space<hbm>>
      tpu.wait_indirect_dma semaphore(%arg9 : memref<!tpu.dma_semaphore, #tpu.memory_space<semaphore_mem>>) src(%dma_wait3A_132 : memref<10112x128xf32, #tpu.memory_space<hbm>>) dst(%dma_wait3A_126 : memref<128x128xf32, #tpu.memory_space<vmem>>)
      %rem3A_133 = arith.constant 3 : i32
      %rem3A_134 = arith.remsi %while3A_110, %rem3A_133 : i32
      %rem3A_135 = arith.constant 3 : i32
      %rem3A_136 = arith.remsi %while3A_110, %rem3A_135 : i32
      %dma_start3A_137 = arith.constant 1 : i32
      %dma_start3A_138 = arith.constant 0 : i32
      %dma_start3A_139 = arith.constant 0 : i32
      %dma_start3A_140 = tpu.memref_slice %arg7[%rem3A_134, %dma_start3A_138, %dma_start3A_139] : memref<3x128x128xf32, #tpu.memory_space<vmem>> -> memref<1x128x128xf32, #tpu.memory_space<vmem>>
      %dma_start3A_141 = tpu.memref_squeeze %dma_start3A_140 : memref<1x128x128xf32, #tpu.memory_space<vmem>> -> memref<128x128xf32, #tpu.memory_space<vmem>>
      %dma_start3A_142 = arith.constant 0 : i32
      %dma_start3A_143 = tpu.memref_slice %arg6[%rem3A_136, %dma_start3A_137, %dma_start3A_142] : memref<3x2x128xi32, #tpu.memory_space<vmem>> -> memref<1x1x128xi32, #tpu.memory_space<vmem>>
      %dma_start3A_144 = tpu.memref_squeeze %dma_start3A_143 : memref<1x1x128xi32, #tpu.memory_space<vmem>> -> memref<128xi32, #tpu.memory_space<vmem>>
      %dma_start3A_145 = arith.constant 0 : i32
      %dma_start3A_146 = arith.constant 0 : i32
      %dma_start3A_147 = tpu.memref_slice %arg8[%dma_start3A_145, %dma_start3A_146] : memref<10112x128xf32, #tpu.memory_space<vmem_shared>> -> memref<10112x128xf32, #tpu.memory_space<vmem_shared>>
      tpu.enqueue_indirect_dma source(%dma_start3A_141 : memref<128x128xf32, #tpu.memory_space<vmem>>) target(%dma_start3A_147 : memref<10112x128xf32, #tpu.memory_space<vmem_shared>>) offsets(%dma_start3A_144 : memref<128xi32, #tpu.memory_space<vmem>>) semaphore(%arg10 : memref<!tpu.dma_semaphore, #tpu.memory_space<semaphore_mem>>) {add = true}
      %add3A_148 = arith.constant 1 : i32
      %add3A_149 = arith.addi %while3A_110, %add3A_148 : i32
      %lt3A_150 = arith.cmpi slt, %add3A_149, %select_n3A : i32
      %convert_element_type3A_151 = arith.extui %lt3A_150 : i1 to i32
      %cond3A_152 = arith.constant 0 : i32
      %cond3A_153 = arith.cmpi ne, %convert_element_type3A_151, %cond3A_152 : i32
      scf.if %cond3A_153 {
        %add3A_154 = arith.constant 1 : i32
        %add3A_155 = arith.addi %while3A_110, %add3A_154 : i32
        %add3A_156 = arith.addi %select_n3A_8, %add3A_155 : i32
        %rem3A_157 = arith.constant 3 : i32
        %rem3A_158 = arith.remsi %add3A_155, %rem3A_157 : i32
        %dma_wait3A_159 = arith.constant 0 : i32
        %dma_wait3A_160 = arith.constant 0 : i32
        %dma_wait3A_161 = tpu.memref_slice %arg6[%rem3A_158, %dma_wait3A_159, %dma_wait3A_160] : memref<3x2x128xi32, #tpu.memory_space<vmem>> -> memref<1x2x128xi32, #tpu.memory_space<vmem>>
        %dma_wait3A_162 = tpu.memref_squeeze %dma_wait3A_161 : memref<1x2x128xi32, #tpu.memory_space<vmem>> -> memref<2x128xi32, #tpu.memory_space<vmem>>
        %dma_wait3A_163 = arith.constant 0 : i32
        %dma_wait3A_164 = arith.constant 0 : i32
        %dma_wait3A_165 = tpu.memref_slice %arg3[%add3A_156, %dma_wait3A_163, %dma_wait3A_164] : memref<2528x2x128xi32, #tpu.memory_space<hbm>> -> memref<1x2x128xi32, #tpu.memory_space<hbm>>
        %dma_wait3A_166 = tpu.memref_squeeze %dma_wait3A_165 : memref<1x2x128xi32, #tpu.memory_space<hbm>> -> memref<2x128xi32, #tpu.memory_space<hbm>>
        %dma_wait3A_167 = arith.constant 0 : i32
        %dma_wait3A_168 = arith.constant 0 : i32
        %dma_wait3A_169 = tpu.memref_slice %arg6[%rem3A_158, %dma_wait3A_167, %dma_wait3A_168] : memref<3x2x128xi32, #tpu.memory_space<vmem>> -> memref<1x2x128xi32, #tpu.memory_space<vmem>>
        %dma_wait3A_170 = tpu.memref_squeeze %dma_wait3A_169 : memref<1x2x128xi32, #tpu.memory_space<vmem>> -> memref<2x128xi32, #tpu.memory_space<vmem>>
        %dma_wait3A_171 = arith.constant 0 : i32
        %dma_wait3A_172 = arith.constant 0 : i32
        %dma_wait3A_173 = tpu.memref_slice %arg3[%add3A_156, %dma_wait3A_171, %dma_wait3A_172] : memref<2528x2x128xi32, #tpu.memory_space<hbm>> -> memref<1x2x128xi32, #tpu.memory_space<hbm>>
        %dma_wait3A_174 = tpu.memref_squeeze %dma_wait3A_173 : memref<1x2x128xi32, #tpu.memory_space<hbm>> -> memref<2x128xi32, #tpu.memory_space<hbm>>
        tpu.wait_dma2 semaphore(%arg11 : memref<!tpu.dma_semaphore, #tpu.memory_space<semaphore_mem>>) src(%dma_wait3A_174 : memref<2x128xi32, #tpu.memory_space<hbm>>) dst(%dma_wait3A_170 : memref<2x128xi32, #tpu.memory_space<vmem>>)
        %add3A_175 = arith.constant 1 : i32
        %add3A_176 = arith.addi %while3A_110, %add3A_175 : i32
        %rem3A_177 = arith.constant 3 : i32
        %rem3A_178 = arith.remsi %add3A_176, %rem3A_177 : i32
        %rem3A_179 = arith.constant 3 : i32
        %rem3A_180 = arith.remsi %add3A_176, %rem3A_179 : i32
        %dma_start3A_181 = arith.constant 0 : i32
        %dma_start3A_182 = arith.constant 0 : i32
        %dma_start3A_183 = arith.constant 0 : i32
        %dma_start3A_184 = tpu.memref_slice %arg7[%rem3A_180, %dma_start3A_182, %dma_start3A_183] : memref<3x128x128xf32, #tpu.memory_space<vmem>> -> memref<1x128x128xf32, #tpu.memory_space<vmem>>
        %dma_start3A_185 = tpu.memref_squeeze %dma_start3A_184 : memref<1x128x128xf32, #tpu.memory_space<vmem>> -> memref<128x128xf32, #tpu.memory_space<vmem>>
        %dma_start3A_186 = arith.constant 0 : i32
        %dma_start3A_187 = tpu.memref_slice %arg6[%rem3A_178, %dma_start3A_181, %dma_start3A_186] : memref<3x2x128xi32, #tpu.memory_space<vmem>> -> memref<1x1x128xi32, #tpu.memory_space<vmem>>
        %dma_start3A_188 = tpu.memref_squeeze %dma_start3A_187 : memref<1x1x128xi32, #tpu.memory_space<vmem>> -> memref<128xi32, #tpu.memory_space<vmem>>
        %dma_start3A_189 = arith.constant 0 : i32
        %dma_start3A_190 = arith.constant 0 : i32
        %dma_start3A_191 = tpu.memref_slice %arg2[%dma_start3A_189, %dma_start3A_190] : memref<10112x128xf32, #tpu.memory_space<hbm>> -> memref<10112x128xf32, #tpu.memory_space<hbm>>
        tpu.enqueue_indirect_dma source(%dma_start3A_191 : memref<10112x128xf32, #tpu.memory_space<hbm>>) target(%dma_start3A_185 : memref<128x128xf32, #tpu.memory_space<vmem>>) offsets(%dma_start3A_188 : memref<128xi32, #tpu.memory_space<vmem>>) semaphore(%arg9 : memref<!tpu.dma_semaphore, #tpu.memory_space<semaphore_mem>>)
      } else {
      }
    }
    %sub3A = arith.constant 2 : i32
    %sub3A_76 = arith.subi %select_n3A, %sub3A : i32
    %rem3A_77 = arith.constant 3 : i32
    %rem3A_78 = arith.remsi %sub3A_76, %rem3A_77 : i32
    %rem3A_79 = arith.constant 3 : i32
    %rem3A_80 = arith.remsi %sub3A_76, %rem3A_79 : i32
    %dma_wait3A_81 = arith.constant 1 : i32
    %dma_wait3A_82 = arith.constant 0 : i32
    %dma_wait3A_83 = arith.constant 0 : i32
    %dma_wait3A_84 = tpu.memref_slice %arg7[%rem3A_78, %dma_wait3A_82, %dma_wait3A_83] : memref<3x128x128xf32, #tpu.memory_space<vmem>> -> memref<1x128x128xf32, #tpu.memory_space<vmem>>
    %dma_wait3A_85 = tpu.memref_squeeze %dma_wait3A_84 : memref<1x128x128xf32, #tpu.memory_space<vmem>> -> memref<128x128xf32, #tpu.memory_space<vmem>>
    %dma_wait3A_86 = arith.constant 0 : i32
    %dma_wait3A_87 = tpu.memref_slice %arg6[%rem3A_80, %dma_wait3A_81, %dma_wait3A_86] : memref<3x2x128xi32, #tpu.memory_space<vmem>> -> memref<1x1x128xi32, #tpu.memory_space<vmem>>
    %dma_wait3A_88 = tpu.memref_squeeze %dma_wait3A_87 : memref<1x1x128xi32, #tpu.memory_space<vmem>> -> memref<128xi32, #tpu.memory_space<vmem>>
    %dma_wait3A_89 = arith.constant 0 : i32
    %dma_wait3A_90 = arith.constant 0 : i32
    %dma_wait3A_91 = tpu.memref_slice %arg8[%dma_wait3A_89, %dma_wait3A_90] : memref<10112x128xf32, #tpu.memory_space<vmem_shared>> -> memref<10112x128xf32, #tpu.memory_space<vmem_shared>>
    tpu.wait_indirect_dma semaphore(%arg10 : memref<!tpu.dma_semaphore, #tpu.memory_space<semaphore_mem>>) src(%dma_wait3A_85 : memref<128x128xf32, #tpu.memory_space<vmem>>) dst(%dma_wait3A_91 : memref<10112x128xf32, #tpu.memory_space<vmem_shared>>)
    %sub3A_92 = arith.constant 1 : i32
    %sub3A_93 = arith.subi %select_n3A, %sub3A_92 : i32
    %rem3A_94 = arith.constant 3 : i32
    %rem3A_95 = arith.remsi %sub3A_93, %rem3A_94 : i32
    %rem3A_96 = arith.constant 3 : i32
    %rem3A_97 = arith.remsi %sub3A_93, %rem3A_96 : i32
    %dma_wait3A_98 = arith.constant 1 : i32
    %dma_wait3A_99 = arith.constant 0 : i32
    %dma_wait3A_100 = arith.constant 0 : i32
    %dma_wait3A_101 = tpu.memref_slice %arg7[%rem3A_95, %dma_wait3A_99, %dma_wait3A_100] : memref<3x128x128xf32, #tpu.memory_space<vmem>> -> memref<1x128x128xf32, #tpu.memory_space<vmem>>
    %dma_wait3A_102 = tpu.memref_squeeze %dma_wait3A_101 : memref<1x128x128xf32, #tpu.memory_space<vmem>> -> memref<128x128xf32, #tpu.memory_space<vmem>>
    %dma_wait3A_103 = arith.constant 0 : i32
    %dma_wait3A_104 = tpu.memref_slice %arg6[%rem3A_97, %dma_wait3A_98, %dma_wait3A_103] : memref<3x2x128xi32, #tpu.memory_space<vmem>> -> memref<1x1x128xi32, #tpu.memory_space<vmem>>
    %dma_wait3A_105 = tpu.memref_squeeze %dma_wait3A_104 : memref<1x1x128xi32, #tpu.memory_space<vmem>> -> memref<128xi32, #tpu.memory_space<vmem>>
    %dma_wait3A_106 = arith.constant 0 : i32
    %dma_wait3A_107 = arith.constant 0 : i32
    %dma_wait3A_108 = tpu.memref_slice %arg8[%dma_wait3A_106, %dma_wait3A_107] : memref<10112x128xf32, #tpu.memory_space<vmem_shared>> -> memref<10112x128xf32, #tpu.memory_space<vmem_shared>>
    tpu.wait_indirect_dma semaphore(%arg10 : memref<!tpu.dma_semaphore, #tpu.memory_space<semaphore_mem>>) src(%dma_wait3A_102 : memref<128x128xf32, #tpu.memory_space<vmem>>) dst(%dma_wait3A_108 : memref<10112x128xf32, #tpu.memory_space<vmem_shared>>)
    %barrier3A_109 = arith.constant 0 : index
    tpu.barrier barrier_id(%barrier3A_109)
    "tpu.region"() ({
      %run_scoped3A = tpu.sem_alloc : memref<!tpu.dma_semaphore, #tpu.memory_space<semaphore_mem>>
      %dma_start3A_110 = arith.constant 0 : i32
      %dma_start3A_111 = tpu.memref_slice %arg5[%arg0, %mul3A_10, %dma_start3A_110] : memref<2x10112x128xf32, #tpu.memory_space<hbm>> -> memref<1x632x128xf32, #tpu.memory_space<hbm>>
      %dma_start3A_112 = tpu.memref_squeeze %dma_start3A_111 : memref<1x632x128xf32, #tpu.memory_space<hbm>> -> memref<632x128xf32, #tpu.memory_space<hbm>>
      %dma_start3A_113 = arith.constant 0 : i32
      %dma_start3A_114 = tpu.memref_slice %arg8[%mul3A_10, %dma_start3A_113] : memref<10112x128xf32, #tpu.memory_space<vmem_shared>> -> memref<632x128xf32, #tpu.memory_space<vmem_shared>>
      tpu.enqueue_dma source(%dma_start3A_114 : memref<632x128xf32, #tpu.memory_space<vmem_shared>>) target(%dma_start3A_112 : memref<632x128xf32, #tpu.memory_space<hbm>>) target_semaphore(%run_scoped3A : memref<!tpu.dma_semaphore, #tpu.memory_space<semaphore_mem>>)
      %dma_wait3A_115 = arith.constant 0 : i32
      %dma_wait3A_116 = tpu.memref_slice %arg5[%arg0, %mul3A_10, %dma_wait3A_115] : memref<2x10112x128xf32, #tpu.memory_space<hbm>> -> memref<1x632x128xf32, #tpu.memory_space<hbm>>
      %dma_wait3A_117 = tpu.memref_squeeze %dma_wait3A_116 : memref<1x632x128xf32, #tpu.memory_space<hbm>> -> memref<632x128xf32, #tpu.memory_space<hbm>>
      %dma_wait3A_118 = arith.constant 0 : i32
      %dma_wait3A_119 = tpu.memref_slice %arg8[%mul3A_10, %dma_wait3A_118] : memref<10112x128xf32, #tpu.memory_space<vmem_shared>> -> memref<632x128xf32, #tpu.memory_space<vmem_shared>>
      tpu.wait_dma2 semaphore(%run_scoped3A : memref<!tpu.dma_semaphore, #tpu.memory_space<semaphore_mem>>) src(%dma_wait3A_119 : memref<632x128xf32, #tpu.memory_space<vmem_shared>>) dst(%dma_wait3A_117 : memref<632x128xf32, #tpu.memory_space<hbm>>)
      tpu.yield
    }) : () -> ()
    return
  }
}

module attributes {stable_mosaic.version = 14 : i64} {
  func.func @_lin1_body(%arg0: i32, %arg1: memref<632x128xf32, #tpu.memory_space<vmem>>, %arg2: memref<128x128xf32, #tpu.memory_space<vmem>>, %arg3: memref<1x128xf32, #tpu.memory_space<vmem>>, %arg4: memref<632x128xf32, #tpu.memory_space<vmem>>) attributes {dimension_semantics = [#tpu.dimension_semantics<arbitrary>], iteration_bounds = array<i64: 16>, scalar_prefetch = 0 : i64, scratch_operands = 0 : i64, tpu.core_type = #tpu.core_type<tc>, window_params = [{transform_indices = @transform_0, window_bounds = array<i64: 632, 128>}, {pipeline_mode = #tpu.pipeline_mode<synchronous>, transform_indices = @transform_1, window_bounds = array<i64: 128, 128>}, {pipeline_mode = #tpu.pipeline_mode<synchronous>, transform_indices = @transform_2, window_bounds = array<i64: 1, 128>}, {transform_indices = @transform_3, window_bounds = array<i64: 632, 128>}]} {
    %get3A = arith.constant 0 : index
    %get3A_0 = arith.constant 0 : index
    %get3A_1 = vector.load %arg1[%get3A, %get3A_0] : memref<632x128xf32, #tpu.memory_space<vmem>>, vector<632x128xf32>
    %get3A_2 = arith.constant 0 : index
    %get3A_3 = arith.constant 0 : index
    %get3A_4 = vector.load %arg2[%get3A_2, %get3A_3] : memref<128x128xf32, #tpu.memory_space<vmem>>, vector<128x128xf32>
    %dot_general3A = arith.constant dense<0.000000e+00> : vector<632x128xf32>
    %dot_general3A_5 = tpu.matmul %get3A_1, %get3A_4, %dot_general3A {dimension_numbers = #tpu.dot_dimension_numbers<[1], [1], [0], [0], [0, 0, 1, 0], [], []>, transpose_lhs_hint = false} : vector<632x128xf32>, vector<128x128xf32>, vector<632x128xf32> -> vector<632x128xf32>
    %get3A_6 = arith.constant 0 : index
    %get3A_7 = arith.constant 0 : index
    %get3A_8 = vector.load %arg3[%get3A_6, %get3A_7] : memref<1x128xf32, #tpu.memory_space<vmem>>, vector<1x128xf32>
    %add3A = vector.broadcast %get3A_8 : vector<1x128xf32> to vector<632x128xf32>
    %add3A_9 = arith.addf %dot_general3A_5, %add3A : vector<632x128xf32>
    %swap3A = arith.constant 0 : index
    %swap3A_10 = arith.constant 0 : index
    %swap3A_11 = vector.load %arg4[%swap3A, %swap3A_10] : memref<632x128xf32, #tpu.memory_space<vmem>>, vector<632x128xf32>
    tpu.vector_store %arg4[%swap3A, %swap3A_10], %add3A_9 {strides = array<i32>} : memref<632x128xf32, #tpu.memory_space<vmem>>, vector<632x128xf32>,
    return
  }
  func.func @transform_0(%arg0: i32) -> (i32, i32) {
    %c0_i32 = arith.constant 0 : i32
    %c0_i32_0 = arith.constant 0 : i32
    return %arg0, %c0_i32 : i32, i32
  }
  func.func @transform_1(%arg0: i32) -> (i32, i32) {
    %c0_i32 = arith.constant 0 : i32
    %c0_i32_0 = arith.constant 0 : i32
    %c0_i32_1 = arith.constant 0 : i32
    return %c0_i32, %c0_i32_0 : i32, i32
  }
  func.func @transform_2(%arg0: i32) -> (i32, i32) {
    %c0_i32 = arith.constant 0 : i32
    %c0_i32_0 = arith.constant 0 : i32
    %c0_i32_1 = arith.constant 0 : i32
    return %c0_i32, %c0_i32_0 : i32, i32
  }
  func.func @transform_3(%arg0: i32) -> (i32, i32) {
    %c0_i32 = arith.constant 0 : i32
    %c0_i32_0 = arith.constant 0 : i32
    return %arg0, %c0_i32 : i32, i32
  }
}

module attributes {stable_mosaic.version = 14 : i64} {
  func.func @_lin2_body(%arg0: i32, %arg1: memref<2x632x128xf32, #tpu.memory_space<vmem>>, %arg2: memref<632x1xf32, #tpu.memory_space<vmem>>, %arg3: memref<128x128xf32, #tpu.memory_space<vmem>>, %arg4: memref<1x128xf32, #tpu.memory_space<vmem>>, %arg5: memref<632x128xf32, #tpu.memory_space<vmem>>) attributes {dimension_semantics = [#tpu.dimension_semantics<arbitrary>], iteration_bounds = array<i64: 16>, scalar_prefetch = 0 : i64, scratch_operands = 0 : i64, tpu.core_type = #tpu.core_type<tc>, window_params = [{transform_indices = @transform_0, window_bounds = array<i64: 2, 632, 128>}, {transform_indices = @transform_1, window_bounds = array<i64: 632, 1>}, {pipeline_mode = #tpu.pipeline_mode<synchronous>, transform_indices = @transform_2, window_bounds = array<i64: 128, 128>}, {pipeline_mode = #tpu.pipeline_mode<synchronous>, transform_indices = @transform_3, window_bounds = array<i64: 1, 128>}, {transform_indices = @transform_4, window_bounds = array<i64: 632, 128>}]} {
    %get3A = arith.constant 0 : index
    %get3A_0 = arith.constant 0 : index
    %get3A_1 = vector.load %arg2[%get3A, %get3A_0] : memref<632x1xf32, #tpu.memory_space<vmem>>, vector<632x1xf32>
    %get3A_2 = arith.constant 0 : index
    %get3A_3 = arith.constant 0 : index
    %get3A_4 = arith.constant 0 : index
    %get3A_5 = vector.load %arg1[%get3A_2, %get3A_3, %get3A_4] : memref<2x632x128xf32, #tpu.memory_space<vmem>>, vector<1x632x128xf32>
    %get3A_6 = vector.shape_cast %get3A_5 : vector<1x632x128xf32> to vector<632x128xf32>
    %get3A_7 = arith.constant 1 : index
    %get3A_8 = arith.constant 0 : index
    %get3A_9 = arith.constant 0 : index
    %get3A_10 = vector.load %arg1[%get3A_7, %get3A_8, %get3A_9] : memref<2x632x128xf32, #tpu.memory_space<vmem>>, vector<1x632x128xf32>
    %get3A_11 = vector.shape_cast %get3A_10 : vector<1x632x128xf32> to vector<632x128xf32>
    %add3A = arith.addf %get3A_6, %get3A_11 : vector<632x128xf32>
    %mul3A = vector.broadcast %get3A_1 : vector<632x1xf32> to vector<632x128xf32>
    %mul3A_12 = arith.mulf %mul3A, %add3A : vector<632x128xf32>
    %max3A = arith.constant 0.000000e+00 : f32
    %max3A_13 = vector.broadcast %max3A : f32 to vector<632x128xf32>
    %max3A_14 = arith.maximumf %mul3A_12, %max3A_13 : vector<632x128xf32>
    %get3A_15 = arith.constant 0 : index
    %get3A_16 = arith.constant 0 : index
    %get3A_17 = vector.load %arg3[%get3A_15, %get3A_16] : memref<128x128xf32, #tpu.memory_space<vmem>>, vector<128x128xf32>
    %dot_general3A = arith.constant dense<0.000000e+00> : vector<632x128xf32>
    %dot_general3A_18 = tpu.matmul %max3A_14, %get3A_17, %dot_general3A {dimension_numbers = #tpu.dot_dimension_numbers<[1], [1], [0], [0], [0, 0, 1, 0], [], []>, transpose_lhs_hint = false} : vector<632x128xf32>, vector<128x128xf32>, vector<632x128xf32> -> vector<632x128xf32>
    %get3A_19 = arith.constant 0 : index
    %get3A_20 = arith.constant 0 : index
    %get3A_21 = vector.load %arg4[%get3A_19, %get3A_20] : memref<1x128xf32, #tpu.memory_space<vmem>>, vector<1x128xf32>
    %add3A_22 = vector.broadcast %get3A_21 : vector<1x128xf32> to vector<632x128xf32>
    %add3A_23 = arith.addf %dot_general3A_18, %add3A_22 : vector<632x128xf32>
    %swap3A = arith.constant 0 : index
    %swap3A_24 = arith.constant 0 : index
    %swap3A_25 = vector.load %arg5[%swap3A, %swap3A_24] : memref<632x128xf32, #tpu.memory_space<vmem>>, vector<632x128xf32>
    tpu.vector_store %arg5[%swap3A, %swap3A_24], %add3A_23 {strides = array<i32>} : memref<632x128xf32, #tpu.memory_space<vmem>>, vector<632x128xf32>,
    return
  }
  func.func @transform_0(%arg0: i32) -> (i32, i32, i32) {
    %c0_i32 = arith.constant 0 : i32
    %c0_i32_0 = arith.constant 0 : i32
    %c0_i32_1 = arith.constant 0 : i32
    return %c0_i32, %arg0, %c0_i32_0 : i32, i32, i32
  }
  func.func @transform_1(%arg0: i32) -> (i32, i32) {
    %c0_i32 = arith.constant 0 : i32
    %c0_i32_0 = arith.constant 0 : i32
    return %arg0, %c0_i32 : i32, i32
  }
  func.func @transform_2(%arg0: i32) -> (i32, i32) {
    %c0_i32 = arith.constant 0 : i32
    %c0_i32_0 = arith.constant 0 : i32
    %c0_i32_1 = arith.constant 0 : i32
    return %c0_i32, %c0_i32_0 : i32, i32
  }
  func.func @transform_3(%arg0: i32) -> (i32, i32) {
    %c0_i32 = arith.constant 0 : i32
    %c0_i32_0 = arith.constant 0 : i32
    %c0_i32_1 = arith.constant 0 : i32
    return %c0_i32, %c0_i32_0 : i32, i32
  }
  func.func @transform_4(%arg0: i32) -> (i32, i32) {
    %c0_i32 = arith.constant 0 : i32
    %c0_i32_0 = arith.constant 0 : i32
    return %arg0, %c0_i32 : i32, i32
  }
}

module attributes {stable_mosaic.version = 14 : i64} {
  func.func @_final_body(%arg0: i32, %arg1: memref<2x632x128xf32, #tpu.memory_space<vmem>>, %arg2: memref<632x1xf32, #tpu.memory_space<vmem>>, %arg3: memref<632x128xf32, #tpu.memory_space<vmem>>) attributes {dimension_semantics = [#tpu.dimension_semantics<arbitrary>], iteration_bounds = array<i64: 16>, scalar_prefetch = 0 : i64, scratch_operands = 0 : i64, tpu.core_type = #tpu.core_type<tc>, window_params = [{transform_indices = @transform_0, window_bounds = array<i64: 2, 632, 128>}, {transform_indices = @transform_1, window_bounds = array<i64: 632, 1>}, {transform_indices = @transform_2, window_bounds = array<i64: 632, 128>}]} {
    %get3A = arith.constant 0 : index
    %get3A_0 = arith.constant 0 : index
    %get3A_1 = vector.load %arg2[%get3A, %get3A_0] : memref<632x1xf32, #tpu.memory_space<vmem>>, vector<632x1xf32>
    %get3A_2 = arith.constant 0 : index
    %get3A_3 = arith.constant 0 : index
    %get3A_4 = arith.constant 0 : index
    %get3A_5 = vector.load %arg1[%get3A_2, %get3A_3, %get3A_4] : memref<2x632x128xf32, #tpu.memory_space<vmem>>, vector<1x632x128xf32>
    %get3A_6 = vector.shape_cast %get3A_5 : vector<1x632x128xf32> to vector<632x128xf32>
    %get3A_7 = arith.constant 1 : index
    %get3A_8 = arith.constant 0 : index
    %get3A_9 = arith.constant 0 : index
    %get3A_10 = vector.load %arg1[%get3A_7, %get3A_8, %get3A_9] : memref<2x632x128xf32, #tpu.memory_space<vmem>>, vector<1x632x128xf32>
    %get3A_11 = vector.shape_cast %get3A_10 : vector<1x632x128xf32> to vector<632x128xf32>
    %add3A = arith.addf %get3A_6, %get3A_11 : vector<632x128xf32>
    %mul3A = vector.broadcast %get3A_1 : vector<632x1xf32> to vector<632x128xf32>
    %mul3A_12 = arith.mulf %mul3A, %add3A : vector<632x128xf32>
    %swap3A = arith.constant 0 : index
    %swap3A_13 = arith.constant 0 : index
    %swap3A_14 = vector.load %arg3[%swap3A, %swap3A_13] : memref<632x128xf32, #tpu.memory_space<vmem>>, vector<632x128xf32>
    tpu.vector_store %arg3[%swap3A, %swap3A_13], %mul3A_12 {strides = array<i32>} : memref<632x128xf32, #tpu.memory_space<vmem>>, vector<632x128xf32>,
    return
  }
  func.func @transform_0(%arg0: i32) -> (i32, i32, i32) {
    %c0_i32 = arith.constant 0 : i32
    %c0_i32_0 = arith.constant 0 : i32
    %c0_i32_1 = arith.constant 0 : i32
    return %c0_i32, %arg0, %c0_i32_0 : i32, i32, i32
  }
  func.func @transform_1(%arg0: i32) -> (i32, i32) {
    %c0_i32 = arith.constant 0 : i32
    %c0_i32_0 = arith.constant 0 : i32
    return %arg0, %c0_i32 : i32, i32
  }
  func.func @transform_2(%arg0: i32) -> (i32, i32) {
    %c0_i32 = arith.constant 0 : i32
    %c0_i32_0 = arith.constant 0 : i32
    return %arg0, %c0_i32 : i32, i32
  }
}

</mosaic_0001>

<sc_bundles>
// kernel: kernel.10.cloned.1.call-start
scs
__scs_entry_jumppad:
0x0: {  	(pc) =	sbr.rel $0x88, $3  }
0x1: {  	(tag) =	ssettag $0x0;
	lr =	simm.s32 $0x1  }
0x2: {  	[smem:$0x3F9A] =	sst lr;
	_ =	strace $0xD0000000  }
0x3: {  	_ = 	snop  }
0x4: {  	_ = 	snop  }
0x5: {  	_ = 	snop  }
0x6: {  	_ = 	snop  }
0x7: {  	_ = 	snop  }
__scs_overlays_trampoline_lowered:
0x8: {  	[smem:$0x3FA9] =	sst s0  }
0x9: {  	[smem:$0x3FAA] =	sst s1  }
0xa: {  	[smem:$0x3FAB] =	sst s2  }
0xb: {  	[smem:$0x3FAC] =	sst s3  }
0xc: {  	[smem:$0x3FAD] =	sst s4  }
0xd: {  	[smem:$0x3FAE] =	sst s5  }
0xe: {  	[smem:$0x3FAF] =	sst s6  }
0xf: {  	[smem:$0x3FB0] =	sst s7  }
0x10: {  	[smem:$0x3FB1] =	sst s8  }
0x11: {  	[smem:$0x3FB2] =	sst s9;
	s0 =	simm.s32 @!p0 $0x0  }
0x12: {  	s1 =	sld [smem:$0x3F98];
	s0 =	simm.s32 @p0 $0x1  }
0x13: {  	[smem:$0x3FB3] =	sst s0;
	s0 =	simm.s32 @!p1 $0x0  }
0x14: {  	s2 =	sld [smem:$0x3F97];
	s0 =	simm.s32 @p1 $0x1  }
0x15: {  	[smem:$0x3FB4] =	sst s0;
	s0 =	simm.s32 @!p2 $0x0  }
0x16: {  	s3 =	sld [smem:$0x3FDB];
	s0 =	simm.s32 @p2 $0x1  }
0x17: {  	s4 =	simm.s32 $0x1BF5;
	[smem:$0x3FB6] =	sst s0  }
0x18: {  	s0 =	sld [smem:$0x3F99];
	_ =	swait.ge [sflag:s4], $0x0  }
0x19: {  	s7 =	sld [smem:$0x3F9A]  }
0x1a: {  	s8 =	sadd.s32 $0xFFFFE003, lr  }
0x1b: {  	s9 =	sadd.s32 $0xFFFFFEF7, lr;
	s5 =	simm.s32 $0xFFFFFFFF;
	p2 =	slt.u32 s8, $0xFFFFF086  }
0x1c: {  	p1 =	slt.u32 s9, $0xF7A;
	s5 =	simm.s32 @!p2 $0x0  }
0x1d: {  	s5 =	simm.s32 @p1 $0x1;
	p0 =	seq.s32 s7, s2  }
0x1e: {  	s7 =	smul.u32 @!p0 $0xF7A, s2;
	p2 =	seq.s32 @!p0 s5, $0x0  }
0x1f: {  	s9 =	smul.u32 $0xF7A, s1;
	s8 =	simm.s32 @!p0 $0x1BF5;
	p2 =	por !p2, p0  }
0x20: {  	[sflag:s8] =	ssyncset.s32 @!p0 $0xFFFFF086;
	s6 =	sadd.s32 @!p0 s3, s7;
	s7 =	simm.s32 @!p0 $0x108  }
0x21: {  	s3 =	sadd.s32 s3, s9;
	s6 =	sadd.s32 @!p0 $0x88, s6;
	s7 =	simm.s32 @p2 $0x1082  }
0x22: {  	[simem:s7], [sflag:s8] =	dma.local @!p0 [hbm:s6], $0xF7A  }
0x23: {  	s9 =	sor.u32 $0xD0000000, s2;
	s6 =	simm.s32 $0x108;
	_ =	swait.ge @!p0 [sflag:s8], $0x0  }
0x24: {  	s3 =	sadd.s32 $0x88, s3;
	s6 =	simm.s32 @!p1 $0x1082;
	[sflag:s4] =	ssyncset.s32 $0xFFFFF086  }
0x25: {  	[simem:s6], [sflag:s4] =	dma.local [hbm:s3], $0xF7A  }
0x26: {  	[smem:$0x3F9A] =	sst s1;
	(tag) =	ssettag s2;
	_ =	strace s9  }
0x27: {  	s1 =	sld [smem:$0x3FAA]  }
0x28: {  	s2 =	sld [smem:$0x3FAB]  }
0x29: {  	s4 =	sld [smem:$0x3FAD]  }
0x2a: {  	p0 =	seq.s32 s5, $0x0;
	s5 =	sld [smem:$0x3FAE]  }
0x2b: {  	s6 =	sld [smem:$0x3FAF]  }
0x2c: {  	s7 =	sld [smem:$0x3FB0]  }
0x2d: {  	s3 =	simm.s32 $0x108;
	s8 =	sld [smem:$0x3FB1]  }
0x2e: {  	s3 =	simm.s32 @!p0 $0x1082;
	s9 =	sld [smem:$0x3FB2]  }
0x2f: {  	lr =	sadd.s32 s0, s3;
	s0 =	sld [smem:$0x3FA9]  }
0x30: {  	s3 =	sld [smem:$0x3FAC]  }
0x31: {  	[smem:$0x3FB5] =	sst s10  }
0x32: {  	s10 =	sld [smem:$0x3FB3];
	_ =	sdelay $0x3  }
0x33: {  	p0 =	seq.s32 s10, $0x1;
	s10 =	sld [smem:$0x3FB5];
	_ =	sdelay $0x3  }
0x34: {  	[smem:$0x3FB5] =	sst s10  }
0x35: {  	s10 =	sld [smem:$0x3FB4];
	_ =	sdelay $0x3  }
0x36: {  	p1 =	seq.s32 s10, $0x1;
	s10 =	sld [smem:$0x3FB5];
	_ =	sdelay $0x3  }
0x37: {  	[smem:$0x3FB5] =	sst s10  }
0x38: {  	s10 =	sld [smem:$0x3FB6]  }
0x39: {  	_ = 	snop;
	(pc) =	sbr.ind lr, $3  }
0x3a: {  	_ = 	snop  }
0x3b: {  	_ = 	snop  }
0x3c: {  	p2 =	seq.s32 s10, $0x1;
	s10 =	sld [smem:$0x3FB5]  }
0x3d: {  	_ =	shalt  }
0x3e: {  	_ =	shalt  }
0x3f: {  	_ =	shalt  }
0x40: {  	_ =	shalt  }
0x41: {  	_ =	shalt  }
0x42: {  	_ =	shalt  }
0x43: {  	_ =	shalt  }
0x44: {  	_ =	shalt  }
0x45: {  	_ =	shalt  }
0x46: {  	_ =	shalt  }
0x47: {  	_ =	shalt  }
0x48: {  	_ =	shalt  }
0x49: {  	_ =	shalt  }
0x4a: {  	_ =	shalt  }
0x4b: {  	_ =	shalt  }
0x4c: {  	_ =	shalt  }
0x4d: {  	_ =	shalt  }
0x4e: {  	_ =	shalt  }
0x4f: {  	_ =	shalt  }
0x50: {  	_ =	shalt  }
0x51: {  	_ =	shalt  }
0x52: {  	_ =	shalt  }
0x53: {  	_ =	shalt  }
0x54: {  	_ =	shalt  }
0x55: {  	_ =	shalt  }
0x56: {  	_ =	shalt  }
0x57: {  	_ =	shalt  }
0x58: {  	_ =	shalt  }
0x59: {  	_ =	shalt  }
0x5a: {  	_ =	shalt  }
0x5b: {  	_ =	shalt  }
0x5c: {  	_ =	shalt  }
0x5d: {  	_ =	shalt  }
0x5e: {  	_ =	shalt  }
0x5f: {  	_ =	shalt  }
0x60: {  	_ =	shalt  }
0x61: {  	_ =	shalt  }
0x62: {  	_ =	shalt  }
0x63: {  	_ =	shalt  }
0x64: {  	_ =	shalt  }
0x65: {  	_ =	shalt  }
0x66: {  	_ =	shalt  }
0x67: {  	_ =	shalt  }
0x68: {  	_ =	shalt  }
0x69: {  	_ =	shalt  }
0x6a: {  	_ =	shalt  }
0x6b: {  	_ =	shalt  }
0x6c: {  	_ =	shalt  }
0x6d: {  	_ =	shalt  }
0x6e: {  	_ =	shalt  }
0x6f: {  	_ =	shalt  }
0x70: {  	_ =	shalt  }
0x71: {  	_ =	shalt  }
0x72: {  	_ =	shalt  }
0x73: {  	_ =	shalt  }
0x74: {  	_ =	shalt  }
0x75: {  	_ =	shalt  }
0x76: {  	_ =	shalt  }
0x77: {  	_ =	shalt  }
0x78: {  	_ =	shalt  }
0x79: {  	_ =	shalt  }
0x7a: {  	_ =	shalt  }
0x7b: {  	_ =	shalt  }
0x7c: {  	_ =	shalt  }
0x7d: {  	_ =	shalt  }
0x7e: {  	_ =	shalt  }
0x7f: {  	_ =	shalt  }
0x80: {  	_ =	shalt  }
0x81: {  	_ =	shalt  }
0x82: {  	_ =	shalt  }
0x83: {  	_ =	shalt  }
0x84: {  	_ =	shalt  }
0x85: {  	_ =	shalt  }
0x86: {  	_ =	shalt  }
0x87: {  	_ =	shalt  }
.Lfunc_end0:
.L_simem_size_0:
called_computation.1_lowered:
.L_overlay_start_0:
0x88: {  	s2 =	sld [smem:$0x3FD9]  }
0x89: {  	s3 =	sld [smem:$0x3FFE];
	_ =	sdelay $0x1  }
0x8a: {  	s1 =	srdreg.scid  }
0x8b: {  	s0 =	sand.u32 $0x1, s1  }
0x8c: {  	s17 =	sshll.u32 s0, $0xA;
	s2 =	sadd.s32 s3, s2  }
0x8d: {  	s2 =	sadd.s32 s2, s17  }
0x8e: {  	[smem:$0x3FC1] =	sst s2  }
0x8f: {  	_ = 	snop  }
0x90: {  	s2 =	sld [smem:$0x3FD0];
	(tm) =	ssettm $0x1  }
0x91: {  	s18 =	sld [smem:$0x3FFB];
	_ =	sdelay $0x3  }
0x92: {  	_ =	strace s18  }
0x93: {  	s3 =	sld [smem:$0x3FFC];
	_ =	sdelay $0x3  }
0x94: {  	_ =	strace s3  }
0x95: {  	s3 =	sld [smem:$0x3FFD];
	_ =	sdelay $0x3  }
0x96: {  	_ =	strace s3  }
0x97: {  	_ =	strace $0x8FFFFFFF  }
0x98: {  	s19 =	sld [smem:$0x3FDB];
	_ =	sdelay $0x1  }
0x99: {  	s4 =	simm.s32 $_scs_section_size  }
0x9a: {  	s5 =	simm.s32 $_size__tile_overlayer_lowered;
	s6 =	simm.s32 $_tile_overlayer_lowered  }
0x9b: {  	s22 =	simm.s32 $0x1BFF;
	s21 =	sshll.u32 s6, $0x1;
	s3 =	sadd.s32 s4, s19  }
0x9c: {  	s7 =	simm.s32 $0x0;
	s20 =	sshll.u32 s5, $0x1;
	s5 =	sadd.s32 s21, s3  }
0x9d: {  	[timem:s7], [sflag:s22] =	dma.local [hbm:s5], s20  }
0x9e: {  	_ =	swait.ge [sflag:s22], s20  }
0x9f: {  	s4 =	ssub.s32 $0x0, s20;
	[sflag:s22] =	ssyncset.done $0x0  }
0xa0: {  	[sflag:s22] =	ssyncadd.s32 s4;
	_ =	sdelay $0x1  }
0xa1: {  	s23 =	simm.s32 $0x1B8B  }
0xa2: {  	_ =	swait.ge [sflag:s23], $0x1  }
0xa3: {  	[sflag:s23] =	ssyncset.done $0x0  }
0xa4: {  	s25 =	simm.s32 $0x1B8E;
	s24 =	sld [smem:$0x3FFE];
	[sflag:s23] =	ssyncadd.s32 $0xFFFFFFFF  }
0xa5: {  	s26 =	simm.s32 $execute0_lowered;
	[smem:$0x3FD2] =	sst s25  }
0xa6: {  	s5 =	sshll.u32 s26, $0x1;
	_ =	strace $0x80000049;
	[dreg:$0x1] =	wrdreg $0xFFFFFFFF  }
0xa7: {  	s28 =	simm.s32 $_size_execute0_lowered;
	s3 =	sadd.s32 s3, s5;
	[dreg:$0x0] =	wrdreg $0x0  }
0xa8: {  	s5 =	sshll.u32 s28, $0x1;
	[dreg:$0x2] =	wrdreg s3  }
0xa9: {  	[dreg:$0x3] =	wrdreg s5  }
0xaa: {  	[dreg:$0x4] =	wrdreg $0xC0  }
0xab: {  	_ =	task [dreg:s7], $0x5FFFF  }
0xac: {  	[dreg:$0x1] =	wrdreg $0xFFFFFFFF  }
0xad: {  	[dreg:$0x0] =	wrdreg $0x60  }
0xae: {  	[dreg:$0x2] =	wrdreg s24  }
0xaf: {  	[dreg:$0x3] =	wrdreg s2  }
0xb0: {  	[dreg:$0x4] =	wrdreg $0xC3000  }
0xb1: {  	[dreg:$0x5] =	wrdreg $0x9  }
0xb2: {  	_ =	task.clear_ibuf [dreg:s7], $0x6FFFF;
	_ =	strace $0x90000049  }
0xb3: {  	s29 =	simm.s32 $0x9;
	_ =	strace $0x8000004B  }
0xb4: {  	_ =	swait.ge [sflag:s29], $0x1  }
0xb5: {  	[sflag:s29] =	ssyncadd.s32 $0xFFFFFFFF  }
0xb6: {  	_ =	strace $0x9000004B  }
0xb7: {  	_ =	sfence  }
0xb8: {  	s30 =	sld [smem:$0x0];
	_ =	sdelay $0x2  }
0xb9: {  	s31 =	sshll.u32 s1, $0xD;
	s1 =	sshrl.u32 s1, $0x2  }
0xba: {  	s3 =	sand.u32 $0x4000, s31;
	s1 =	sadd.s32 s1, s30  }
0xbb: {  	s0 =	sor.u32 s3, s0;
	s1 =	sshll.u32 s1, $0x11  }
0xbc: {  	s0 =	sor.u32 s1, s0  }
0xbd: {  	s0 =	sadd.s32 $0x8F2B, s0  }
0xbe: {  	[sflag:s0] =	ssyncadd.remote.s32 $0x1  }
0xbf: {  	_ =	sfence.sel $0xFFFF  }
0xc0: {  	[dreg:$0x0] =	wrdreg $0xFFFFFFFF;
	(pc) =	sbr.abs _section_cstart, $3  }
0xc1: {  	[dreg:$0x1] =	wrdreg $0xFFFFFFFF  }
0xc2: {  	_ =	task.clear_ibuf [dreg:s7], $0x2FFFF;
	_ =	strace $0x9FFFFFFF  }
0xc3: {  	(tm) =	ssettm $0x7FFFFFFF  }
tec
execute0_lowered:
.L_overlay_start_1:
0x0: {  	(tag) =	ssettag $0x1  }
0x1: {  	s6 =	rddreg [dreg:$0x0]  }
0x2: {  	s8 =	rddreg [dreg:$0x1]  }
0x3: {  	s2 =	rddreg [dreg:$0x2]  }
0x4: {  	s0 =	srdreg.scid;
	s1 =	rddreg [dreg:$0x3];
	s3 =	simm.s32 $0x0  }
0x5: {  	s14 =	simm.s32 $0x3;
	s7 =	sand.u32 $0x1, s0;
	s0 =	stileid.u32  }
0x6: {  	s15 =	simm.s32 $0x2;
	[smem:$0x7FF] =	sst s3;
	s4 =	smul.u32 $0x13C000, s7  }
0x7: {  	s16 =	simm.s32 $0x0;
	s5 =	smul.u32 $0x13C00, s0;
	_ =	strace $0x8000004A  }
0x8: {  	s10 =	ssub.s32 $0x2, s7;
	p0 =	seq.s32 s7, $0x0;
	s7 =	smul.u32 $0x7E, s0  }
0x9: {  	s12 =	sshll.u32 s0, $0x5;
	s13 =	smul.u32 $0x4F000, s0;
	s31 =	sshll.u32 s0, $0x6  }
0xa: {  	s11 =	sshrl.u32 s10, $0x1;
	s5 =	sadd.s32 s5, s4;
	s4 =	sadd.s32 $0x1A00, s6  }
0xb: {  	s10 =	ssub.s32 s10, s11;
	s11 =	sadd.s32 $0x7E0, s12;
	s30 =	sshrl.u32 s13, $0x2  }
0xc: {  	s9 =	sshrl.u32 s5, $0x3;
	s5 =	sadd.s32 $0x29200, s6;
	s11 =	smov.u32 @p0 s7  }
0xd: {  	s13 =	sadd.s32 s30, s2;
	s7 =	sor.u32 $0x1C04, s31;
	s10 =	smax.u32 s10, $0x1  }
0xe: {  	s9 =	sadd.s32 s9, s6;
	s6 =	simm.s32 $0x7E;
	s11 =	sshll.u32 s11, $0x5  }
0xf: {  	s12 =	sshrl.u32 s13, $0x3;
	s13 =	simm.s32 $0x4;
	s8 =	sadd.s32 s8, s11  }
0x10: {  	s6 =	simm.s32 @!p0 $0x20;
	s9 =	sadd.s32 $0x2BA00, s9;
	s11 =	sadd.s32 $0x20, s8  }
.LBB2_1:
0x11: {  	[spmem:s12], [sflag:s7] =	dma.local [hbm:s5], $0x2780  }
0x12: {  	_ =	swait.ge [sflag:s13], $0x2780  }
0x13: {  	s17 =	simm.s32 $0x80;
	s18 =	simm.s32 $0x300;
	[sflag:s13] =	ssyncset.done $0x0  }
0x14: {  	s19 =	simm.s32 $0x1;
	p2 =	por $0x1, $0x1;
	[sflag:s13] =	ssyncadd.s32 $0xFFFFD880  }
0x15: {  	s20 =	smulhi.u32 $0xAAAAAAAB, s3;
	p1 =	sne.s32 s6, $0x1;
	[bflag:$0x0] =	sbarrier.arrive $0xFFFF  }
0x16: {  	[tilespmem:s3], [sflag:$0x3] =	stream.linear.gather [hbm4b:s8+s3], $0x100, $0x38;
	[tilespmem:$0x1FF00] =	vst v63  }
0x17: {  	p0 =	sle.u32 s6, $0x1;
	s21 =	simm.s32 @!p2 $0x2;
	_ =	swait.ge [sflag:s14], $0x100  }
0x18: {  	s19 =	smulhi.u32 $0xAAAAAAAB, s19;
	s20 =	sshrl.u32 s20, $0x1;
	[sflag:s14] =	ssyncset.done $0x0  }
0x19: {  	s26 =	simm.s32 @!p0 $0x1;
	s22 =	smul.u32 $0xFFFD0000, s20;
	[sflag:s14] =	ssyncadd.s32 $0xFFFFFF00  }
0x1a: {  	[tilespmem:s18], [sflag:$0x1] =	stream.indirect.gather [hbm4b:s4+s17], $0x80, s3, s17, $0xb8;
	[tilespmem:$0x1FF00] =	vst v63  }
0x1b: {  	s23 =	sshrl.u32 s19, $0x1;
	s30 =	smul.u32 $0xFFFFF400, s20;
	_ =	swait.ge @!p2 [sflag:s21], $0x4000  }
0x1c: {  	s25 =	simm.s32 @!p0 $0x80;
	s31 =	smul.u32 $0xFFFFF400, s23;
	[sflag:s21] =	ssyncset.done @!p2 $0x0  }
0x1d: {  	s23 =	smul.u32 $0xFFFD0000, s23;
	[sflag:s21] =	ssyncadd.s32 @!p2 $0xFFFFC000;
	s21 =	simm.s32 @p0 $0x1  }
0x1e: {  	s22 =	sshra.s32 s22, $0x2;
	s19 =	sshra.s32 s30, $0x2;
	_ =	swait.ge @p0 [sflag:s21], $0x4000  }
0x1f: {  	s22 =	sadd.s32 $0x300, s22;
	s20 =	sshra.s32 s31, $0x2;
	[sflag:s21] =	ssyncset.done @p0 $0x0  }
0x20: {  	[sflag:s21] =	ssyncadd.s32 @p0 $0xFFFFC000;
	s21 =	sadd.s32 $0x80, s19;
	s19 =	simm.s32 @p0 $0x80  }
0x21: {  	[spmem:s2] =	stream.indirect.scatter.add.f32 @p0 [tilespmem:s22], [sflag:$0x2], $0x80, s21, s19, $0xb8;
	[tilespmem:$0x1FF00] =	vst v63  }
0x22: {  	s23 =	sshra.s32 s23, $0x2;
	s24 =	sadd.s32 $0x100, s20;
	s19 =	simm.s32 @!p0 $0x0  }
0x23: {  	[tilespmem:s24], [sflag:$0x3] =	stream.linear.gather @!p0 [hbm4b:s11+s19], $0x100, $0x38;
	[tilespmem:$0x1FF00] =	vst v63  }
0x24: {  	s20 =	simm.s32 $0x4300;
	s28 =	sadd.s32 $0x4300, s23;
	_ =	swait.ge @!p0 [sflag:s26], $0x4000  }
.Ltmp0:
0x25: {  	s23 =	simm.s32 $0x2;
	[sflag:s26] =	ssyncset.done @!p0 $0x0;
	(pc) =	sbr.rel @!p1 .LBB2_3-.Ltmp0, $4  }
0x26: {  	s17 =	simm.s32 $0x4300;
	[sflag:s26] =	ssyncadd.s32 @!p0 $0xFFFFC000;
	s26 =	simm.s32 @!p0 $0x3  }
0x27: {  	[spmem:s2] =	stream.indirect.scatter.add.f32 @!p0 [tilespmem:s22], [sflag:$0x2], $0x80, s21, s25, $0xb8;
	[tilespmem:$0x1FF00] =	vst v63  }
0x28: {  	s18 =	simm.s32 $0x1;
	s19 =	simm.s32 $0x180;
	_ =	swait.ge @!p0 [sflag:s26], $0x100  }
0x29: {  	s21 =	simm.s32 $0x200;
	s22 =	sadd.s32 $0x20, s11;
	[sflag:s26] =	ssyncset.done @!p0 $0x0  }
.LBB2_2:
0x2a: {  	[sflag:s26] =	ssyncadd.s32 @!p0 $0xFFFFFF00;
	s17 =	sadd.s32 $0x4000, s17  }
0x2b: {  	s26 =	smov.u32 s18;
	s18 =	sadd.s32 $0x1, s18;
	s29 =	smov.u32 s19  }
0x2c: {  	[tilespmem:s28], [sflag:$0x1] =	stream.indirect.gather @!p0 [hbm4b:s4+s25], $0x80, s24, s25, $0xb8;
	[tilespmem:$0x1FF00] =	vst v63  }
0x2d: {  	p2 =	slt.u32 s26, $0x2;
	p1 =	sne.s32 s6, s18  }
0x2e: {  	s24 =	smulhi.u32 $0xAAAAAAAB, s26;
	s25 =	simm.s32 @!p2 $0x2  }
0x2f: {  	s19 =	sadd.s32 $0x100, s19;
	s26 =	smulhi.u32 $0xAAAAAAAB, s23;
	_ =	swait.ge @!p2 [sflag:s25], $0x4000  }
0x30: {  	p0 =	sge.u32 s18, s6;
	s24 =	sshrl.u32 s24, $0x1;
	[sflag:s25] =	ssyncset.done @!p2 $0x0  }
0x31: {  	s28 =	smul.u32 $0xFFFD0000, s24;
	[sflag:s25] =	ssyncadd.s32 @!p2 $0xFFFFC000;
	s25 =	simm.s32 @p0 $0x1  }
0x32: {  	s26 =	sshrl.u32 s26, $0x1;
	s24 =	smul.u32 $0xFFFFF400, s24;
	_ =	swait.ge @p0 [sflag:s25], $0x4000  }
0x33: {  	s30 =	smul.u32 $0xFFFFF400, s26;
	s28 =	sshra.s32 s28, $0x2;
	[sflag:s25] =	ssyncset.done @p0 $0x0  }
0x34: {  	s24 =	sshra.s32 s24, $0x2;
	s28 =	sadd.s32 s28, s20;
	[sflag:s25] =	ssyncadd.s32 @p0 $0xFFFFC000  }
0x35: {  	s29 =	sadd.s32 s24, s29;
	s24 =	simm.s32 @p0 $0x80;
	s25 =	sshra.s32 s30, $0x2  }
0x36: {  	[spmem:s2] =	stream.indirect.scatter.add.f32 @p0 [tilespmem:s28], [sflag:$0x2], $0x80, s29, s24, $0xb8;
	[tilespmem:$0x1FF00] =	vst v63  }
0x37: {  	s30 =	simm.s32 @!p0 $0x1;
	s24 =	sadd.s32 s25, s21;
	s25 =	simm.s32 @!p0 $0x0  }
0x38: {  	[tilespmem:s24], [sflag:$0x3] =	stream.linear.gather @!p0 [hbm4b:s22+s25], $0x100, $0x38;
	[tilespmem:$0x1FF00] =	vst v63  }
0x39: {  	s26 =	smul.u32 $0xFFFD0000, s26;
	s20 =	sadd.s32 $0x4000, s20;
	_ =	swait.ge @!p0 [sflag:s30], $0x4000  }
.Ltmp1:
0x3a: {  	s25 =	simm.s32 @!p0 $0x80;
	[sflag:s30] =	ssyncset.done @!p0 $0x0;
	(pc) =	sbr.rel @p1 .LBB2_2-.Ltmp1, $4  }
0x3b: {  	s31 =	sshra.s32 s26, $0x2;
	s26 =	simm.s32 @!p0 $0x3;
	[sflag:s30] =	ssyncadd.s32 @!p0 $0xFFFFC000  }
0x3c: {  	[spmem:s2] =	stream.indirect.scatter.add.f32 @!p0 [tilespmem:s28], [sflag:$0x2], $0x80, s29, s25, $0xb8;
	[tilespmem:$0x1FF00] =	vst v63  }
0x3d: {  	s21 =	sadd.s32 $0x100, s21;
	s22 =	sadd.s32 $0x20, s22;
	_ =	swait.ge @!p0 [sflag:s26], $0x100  }
0x3e: {  	s23 =	sadd.s32 $0x1, s23;
	s28 =	sadd.s32 s31, s17;
	[sflag:s26] =	ssyncset.done @!p0 $0x0  }
.LBB2_3:
0x3f: {  	[sflag:s26] =	ssyncadd.s32 @!p0 $0xFFFFFF00  }
0x40: {  	[tilespmem:s28], [sflag:$0x1] =	stream.indirect.gather @!p0 [hbm4b:s4+s25], $0x80, s24, s25, $0xb8;
	[tilespmem:$0x1FF00] =	vst v63  }
0x41: {  	_ =	swait.ge [sflag:s15], $0x4000  }
0x42: {  	[sflag:s15] =	ssyncset.done $0x0  }
0x43: {  	[sflag:s15] =	ssyncadd.s32 $0xFFFFC000  }
0x44: {  	_ =	swait.ge [sflag:s15], $0x4000  }
0x45: {  	s16 =	sadd.s32 $0x1, s16;
	[sflag:s15] =	ssyncset.done $0x0  }
0x46: {  	p0 =	sne.s32 s16, s10;
	[sflag:s15] =	ssyncadd.s32 $0xFFFFC000  }
.Ltmp2:
0x47: {  	[bflag:$0x0] =	sbarrier.arrive $0xFFFF;
	(pc) =	sbr.rel @p0 .LBB2_1-.Ltmp2, $4  }
0x48: {  	[hbm:s9], [sflag:s7] =	dma.local [spmem:s12], $0x2780  }
0x49: {  	_ =	swait.ge [sflag:s13], $0x2780  }
0x4a: {  	[sflag:s13] =	ssyncset.done $0x0  }
0x4b: {  	[sflag:s13] =	ssyncadd.s32 $0xFFFFD880  }
0x4c: {  	_ =	sfence.sel $0x180000  }
0x4d: {  	[bflag:$0x0] =	sbarrier.arrive $0xFFFF  }
0x4e: {  	p0 =	sne.s32 s0, $0x0;
	_ =	strace $0x9000004A  }
0x4f: {  	s0 =	sadd.s32 @!p0 $0x100000, s1;
	[bflag:$0x2] =	sbarrier.arrive $0xFFFF  }
0x50: {  	[sflag:s0] =	ssyncadd.tile.s32 @!p0 $0x1;
	_ =	shalt  }
.Lfunc_end2:
_tile_overlayer_lowered:
.L_overlay_start_2:
0x51: {  	(tag) =	ssettag $0x2  }
0x52: {  	s0 =	rddreg [dreg:$0x0];
	s2 =	stileid.u32  }
0x53: {  	s1 =	rddreg [dreg:$0x1];
	p0 =	sne.s32 s2, $0x0  }
0x54: {  	s3 =	rddreg [dreg:$0x2];
	[bflag:$0x3] =	sbarrier.arrive $0xFFFF;
	s2 =	simm.s32 @!p0 $0x1C04  }
0x55: {  	[timem:s3], [sflag:s2] =	dma.local @!p0 [hbm:s0], s1  }
0x56: {  	s0 =	simm.s32 @!p0 $0x4  }
0x57: {  	_ =	swait.ge @!p0 [sflag:s0], s1  }
0x58: {  	s1 =	ssub.s32 @!p0 $0x0, s1;
	[sflag:s0] =	ssyncset.done @!p0 $0x0  }
0x59: {  	[sflag:s0] =	ssyncadd.s32 @!p0 s1  }
0x5a: {  	[bflag:$0x3] =	sbarrier.arrive $0xFFFF  }
0x5b: {  	_ =	shalt  }

// kernel: kernel.7.cloned.1.call-start
scs
__scs_entry_jumppad:
0x0: {  	(pc) =	sbr.rel $0x88, $3  }
0x1: {  	(tag) =	ssettag $0x0;
	lr =	simm.s32 $0x1  }
0x2: {  	[smem:$0x3F9A] =	sst lr;
	_ =	strace $0xD0000000  }
0x3: {  	_ = 	snop  }
0x4: {  	_ = 	snop  }
0x5: {  	_ = 	snop  }
0x6: {  	_ = 	snop  }
0x7: {  	_ = 	snop  }
__scs_overlays_trampoline_lowered:
0x8: {  	[smem:$0x3FA9] =	sst s0  }
0x9: {  	[smem:$0x3FAA] =	sst s1  }
0xa: {  	[smem:$0x3FAB] =	sst s2  }
0xb: {  	[smem:$0x3FAC] =	sst s3  }
0xc: {  	[smem:$0x3FAD] =	sst s4  }
0xd: {  	[smem:$0x3FAE] =	sst s5  }
0xe: {  	[smem:$0x3FAF] =	sst s6  }
0xf: {  	[smem:$0x3FB0] =	sst s7  }
0x10: {  	[smem:$0x3FB1] =	sst s8  }
0x11: {  	[smem:$0x3FB2] =	sst s9;
	s0 =	simm.s32 @!p0 $0x0  }
0x12: {  	s1 =	sld [smem:$0x3F98];
	s0 =	simm.s32 @p0 $0x1  }
0x13: {  	[smem:$0x3FB3] =	sst s0;
	s0 =	simm.s32 @!p1 $0x0  }
0x14: {  	s2 =	sld [smem:$0x3F97];
	s0 =	simm.s32 @p1 $0x1  }
0x15: {  	[smem:$0x3FB4] =	sst s0;
	s0 =	simm.s32 @!p2 $0x0  }
0x16: {  	s3 =	sld [smem:$0x3FDB];
	s0 =	simm.s32 @p2 $0x1  }
0x17: {  	s4 =	simm.s32 $0x1BF5;
	[smem:$0x3FB6] =	sst s0  }
0x18: {  	s0 =	sld [smem:$0x3F99];
	_ =	swait.ge [sflag:s4], $0x0  }
0x19: {  	s7 =	sld [smem:$0x3F9A]  }
0x1a: {  	s8 =	sadd.s32 $0xFFFFE003, lr  }
0x1b: {  	s9 =	sadd.s32 $0xFFFFFEF7, lr;
	s5 =	simm.s32 $0xFFFFFFFF;
	p2 =	slt.u32 s8, $0xFFFFF086  }
0x1c: {  	p1 =	slt.u32 s9, $0xF7A;
	s5 =	simm.s32 @!p2 $0x0  }
0x1d: {  	s5 =	simm.s32 @p1 $0x1;
	p0 =	seq.s32 s7, s2  }
0x1e: {  	s7 =	smul.u32 @!p0 $0xF7A, s2;
	p2 =	seq.s32 @!p0 s5, $0x0  }
0x1f: {  	s9 =	smul.u32 $0xF7A, s1;
	s8 =	simm.s32 @!p0 $0x1BF5;
	p2 =	por !p2, p0  }
0x20: {  	[sflag:s8] =	ssyncset.s32 @!p0 $0xFFFFF086;
	s6 =	sadd.s32 @!p0 s3, s7;
	s7 =	simm.s32 @!p0 $0x108  }
0x21: {  	s3 =	sadd.s32 s3, s9;
	s6 =	sadd.s32 @!p0 $0x88, s6;
	s7 =	simm.s32 @p2 $0x1082  }
0x22: {  	[simem:s7], [sflag:s8] =	dma.local @!p0 [hbm:s6], $0xF7A  }
0x23: {  	s9 =	sor.u32 $0xD0000000, s2;
	s6 =	simm.s32 $0x108;
	_ =	swait.ge @!p0 [sflag:s8], $0x0  }
0x24: {  	s3 =	sadd.s32 $0x88, s3;
	s6 =	simm.s32 @!p1 $0x1082;
	[sflag:s4] =	ssyncset.s32 $0xFFFFF086  }
0x25: {  	[simem:s6], [sflag:s4] =	dma.local [hbm:s3], $0xF7A  }
0x26: {  	[smem:$0x3F9A] =	sst s1;
	(tag) =	ssettag s2;
	_ =	strace s9  }
0x27: {  	s1 =	sld [smem:$0x3FAA]  }
0x28: {  	s2 =	sld [smem:$0x3FAB]  }
0x29: {  	s4 =	sld [smem:$0x3FAD]  }
0x2a: {  	p0 =	seq.s32 s5, $0x0;
	s5 =	sld [smem:$0x3FAE]  }
0x2b: {  	s6 =	sld [smem:$0x3FAF]  }
0x2c: {  	s7 =	sld [smem:$0x3FB0]  }
0x2d: {  	s3 =	simm.s32 $0x108;
	s8 =	sld [smem:$0x3FB1]  }
0x2e: {  	s3 =	simm.s32 @!p0 $0x1082;
	s9 =	sld [smem:$0x3FB2]  }
0x2f: {  	lr =	sadd.s32 s0, s3;
	s0 =	sld [smem:$0x3FA9]  }
0x30: {  	s3 =	sld [smem:$0x3FAC]  }
0x31: {  	[smem:$0x3FB5] =	sst s10  }
0x32: {  	s10 =	sld [smem:$0x3FB3];
	_ =	sdelay $0x3  }
0x33: {  	p0 =	seq.s32 s10, $0x1;
	s10 =	sld [smem:$0x3FB5];
	_ =	sdelay $0x3  }
0x34: {  	[smem:$0x3FB5] =	sst s10  }
0x35: {  	s10 =	sld [smem:$0x3FB4];
	_ =	sdelay $0x3  }
0x36: {  	p1 =	seq.s32 s10, $0x1;
	s10 =	sld [smem:$0x3FB5];
	_ =	sdelay $0x3  }
0x37: {  	[smem:$0x3FB5] =	sst s10  }
0x38: {  	s10 =	sld [smem:$0x3FB6]  }
0x39: {  	_ = 	snop;
	(pc) =	sbr.ind lr, $3  }
0x3a: {  	_ = 	snop  }
0x3b: {  	_ = 	snop  }
0x3c: {  	p2 =	seq.s32 s10, $0x1;
	s10 =	sld [smem:$0x3FB5]  }
0x3d: {  	_ =	shalt  }
0x3e: {  	_ =	shalt  }
0x3f: {  	_ =	shalt  }
0x40: {  	_ =	shalt  }
0x41: {  	_ =	shalt  }
0x42: {  	_ =	shalt  }
0x43: {  	_ =	shalt  }
0x44: {  	_ =	shalt  }
0x45: {  	_ =	shalt  }
0x46: {  	_ =	shalt  }
0x47: {  	_ =	shalt  }
0x48: {  	_ =	shalt  }
0x49: {  	_ =	shalt  }
0x4a: {  	_ =	shalt  }
0x4b: {  	_ =	shalt  }
0x4c: {  	_ =	shalt  }
0x4d: {  	_ =	shalt  }
0x4e: {  	_ =	shalt  }
0x4f: {  	_ =	shalt  }
0x50: {  	_ =	shalt  }
0x51: {  	_ =	shalt  }
0x52: {  	_ =	shalt  }
0x53: {  	_ =	shalt  }
0x54: {  	_ =	shalt  }
0x55: {  	_ =	shalt  }
0x56: {  	_ =	shalt  }
0x57: {  	_ =	shalt  }
0x58: {  	_ =	shalt  }
0x59: {  	_ =	shalt  }
0x5a: {  	_ =	shalt  }
0x5b: {  	_ =	shalt  }
0x5c: {  	_ =	shalt  }
0x5d: {  	_ =	shalt  }
0x5e: {  	_ =	shalt  }
0x5f: {  	_ =	shalt  }
0x60: {  	_ =	shalt  }
0x61: {  	_ =	shalt  }
0x62: {  	_ =	shalt  }
0x63: {  	_ =	shalt  }
0x64: {  	_ =	shalt  }
0x65: {  	_ =	shalt  }
0x66: {  	_ =	shalt  }
0x67: {  	_ =	shalt  }
0x68: {  	_ =	shalt  }
0x69: {  	_ =	shalt  }
0x6a: {  	_ =	shalt  }
0x6b: {  	_ =	shalt  }
0x6c: {  	_ =	shalt  }
0x6d: {  	_ =	shalt  }
0x6e: {  	_ =	shalt  }
0x6f: {  	_ =	shalt  }
0x70: {  	_ =	shalt  }
0x71: {  	_ =	shalt  }
0x72: {  	_ =	shalt  }
0x73: {  	_ =	shalt  }
0x74: {  	_ =	shalt  }
0x75: {  	_ =	shalt  }
0x76: {  	_ =	shalt  }
0x77: {  	_ =	shalt  }
0x78: {  	_ =	shalt  }
0x79: {  	_ =	shalt  }
0x7a: {  	_ =	shalt  }
0x7b: {  	_ =	shalt  }
0x7c: {  	_ =	shalt  }
0x7d: {  	_ =	shalt  }
0x7e: {  	_ =	shalt  }
0x7f: {  	_ =	shalt  }
0x80: {  	_ =	shalt  }
0x81: {  	_ =	shalt  }
0x82: {  	_ =	shalt  }
0x83: {  	_ =	shalt  }
0x84: {  	_ =	shalt  }
0x85: {  	_ =	shalt  }
0x86: {  	_ =	shalt  }
0x87: {  	_ =	shalt  }
.Lfunc_end0:
.L_simem_size_0:
called_computation_lowered:
.L_overlay_start_0:
0x88: {  	s2 =	sld [smem:$0x3FD9]  }
0x89: {  	s3 =	sld [smem:$0x3FFE];
	_ =	sdelay $0x1  }
0x8a: {  	s1 =	srdreg.scid  }
0x8b: {  	s0 =	sand.u32 $0x1, s1  }
0x8c: {  	s17 =	sshll.u32 s0, $0xA;
	s2 =	sadd.s32 s3, s2  }
0x8d: {  	s2 =	sadd.s32 s2, s17  }
0x8e: {  	[smem:$0x3FC1] =	sst s2  }
0x8f: {  	_ = 	snop  }
0x90: {  	s2 =	sld [smem:$0x3FD0];
	(tm) =	ssettm $0x1  }
0x91: {  	s18 =	sld [smem:$0x3FFB];
	_ =	sdelay $0x3  }
0x92: {  	_ =	strace s18  }
0x93: {  	s3 =	sld [smem:$0x3FFC];
	_ =	sdelay $0x3  }
0x94: {  	_ =	strace s3  }
0x95: {  	s3 =	sld [smem:$0x3FFD];
	_ =	sdelay $0x3  }
0x96: {  	_ =	strace s3  }
0x97: {  	_ =	strace $0x8FFFFFFF  }
0x98: {  	s19 =	sld [smem:$0x3FDB];
	_ =	sdelay $0x1  }
0x99: {  	s4 =	simm.s32 $_scs_section_size  }
0x9a: {  	s5 =	simm.s32 $_size__tile_overlayer_lowered;
	s6 =	simm.s32 $_tile_overlayer_lowered  }
0x9b: {  	s22 =	simm.s32 $0x1BFF;
	s21 =	sshll.u32 s6, $0x1;
	s3 =	sadd.s32 s4, s19  }
0x9c: {  	s7 =	simm.s32 $0x0;
	s20 =	sshll.u32 s5, $0x1;
	s5 =	sadd.s32 s21, s3  }
0x9d: {  	[timem:s7], [sflag:s22] =	dma.local [hbm:s5], s20  }
0x9e: {  	_ =	swait.ge [sflag:s22], s20  }
0x9f: {  	s4 =	ssub.s32 $0x0, s20;
	[sflag:s22] =	ssyncset.done $0x0  }
0xa0: {  	[sflag:s22] =	ssyncadd.s32 s4;
	_ =	sdelay $0x1  }
0xa1: {  	s23 =	simm.s32 $0x1B8B  }
0xa2: {  	_ =	swait.ge [sflag:s23], $0x1  }
0xa3: {  	[sflag:s23] =	ssyncset.done $0x0  }
0xa4: {  	s25 =	simm.s32 $0x1B8E;
	s24 =	sld [smem:$0x3FFE];
	[sflag:s23] =	ssyncadd.s32 $0xFFFFFFFF  }
0xa5: {  	s26 =	simm.s32 $execute0_lowered;
	[smem:$0x3FD2] =	sst s25  }
0xa6: {  	s5 =	sshll.u32 s26, $0x1;
	_ =	strace $0x80000046;
	[dreg:$0x1] =	wrdreg $0xFFFFFFFF  }
0xa7: {  	s28 =	simm.s32 $_size_execute0_lowered;
	s3 =	sadd.s32 s3, s5;
	[dreg:$0x0] =	wrdreg $0x0  }
0xa8: {  	s5 =	sshll.u32 s28, $0x1;
	[dreg:$0x2] =	wrdreg s3  }
0xa9: {  	[dreg:$0x3] =	wrdreg s5  }
0xaa: {  	[dreg:$0x4] =	wrdreg $0xC0  }
0xab: {  	_ =	task [dreg:s7], $0x5FFFF  }
0xac: {  	[dreg:$0x1] =	wrdreg $0xFFFFFFFF  }
0xad: {  	[dreg:$0x0] =	wrdreg $0x60  }
0xae: {  	[dreg:$0x2] =	wrdreg s24  }
0xaf: {  	[dreg:$0x3] =	wrdreg s2  }
0xb0: {  	[dreg:$0x4] =	wrdreg $0xC3000  }
0xb1: {  	[dreg:$0x5] =	wrdreg $0x9  }
0xb2: {  	_ =	task.clear_ibuf [dreg:s7], $0x6FFFF;
	_ =	strace $0x90000046  }
0xb3: {  	s29 =	simm.s32 $0x9;
	_ =	strace $0x80000048  }
0xb4: {  	_ =	swait.ge [sflag:s29], $0x1  }
0xb5: {  	[sflag:s29] =	ssyncadd.s32 $0xFFFFFFFF  }
0xb6: {  	_ =	strace $0x90000048  }
0xb7: {  	_ =	sfence  }
0xb8: {  	s30 =	sld [smem:$0x0];
	_ =	sdelay $0x2  }
0xb9: {  	s31 =	sshll.u32 s1, $0xD;
	s1 =	sshrl.u32 s1, $0x2  }
0xba: {  	s3 =	sand.u32 $0x4000, s31;
	s1 =	sadd.s32 s1, s30  }
0xbb: {  	s0 =	sor.u32 s3, s0;
	s1 =	sshll.u32 s1, $0x11  }
0xbc: {  	s0 =	sor.u32 s1, s0  }
0xbd: {  	s0 =	sadd.s32 $0x8F2B, s0  }
0xbe: {  	[sflag:s0] =	ssyncadd.remote.s32 $0x1  }
0xbf: {  	_ =	sfence.sel $0xFFFF  }
0xc0: {  	[dreg:$0x0] =	wrdreg $0xFFFFFFFF;
	(pc) =	sbr.abs _section_cstart, $3  }
0xc1: {  	[dreg:$0x1] =	wrdreg $0xFFFFFFFF  }
0xc2: {  	_ =	task.clear_ibuf [dreg:s7], $0x2FFFF;
	_ =	strace $0x9FFFFFFF  }
0xc3: {  	(tm) =	ssettm $0x7FFFFFFF  }
tec
execute0_lowered:
.L_overlay_start_1:
0x0: {  	(tag) =	ssettag $0x1  }
0x1: {  	s6 =	rddreg [dreg:$0x0]  }
0x2: {  	s8 =	rddreg [dreg:$0x1]  }
0x3: {  	s2 =	rddreg [dreg:$0x2]  }
0x4: {  	s0 =	srdreg.scid;
	s1 =	rddreg [dreg:$0x3];
	s3 =	simm.s32 $0x0  }
0x5: {  	s14 =	simm.s32 $0x3;
	s7 =	sand.u32 $0x1, s0;
	s0 =	stileid.u32  }
0x6: {  	s15 =	simm.s32 $0x2;
	[smem:$0x7FF] =	sst s3;
	s4 =	smul.u32 $0x13C000, s7  }
0x7: {  	s16 =	simm.s32 $0x0;
	s5 =	smul.u32 $0x13C00, s0;
	_ =	strace $0x80000047  }
0x8: {  	s10 =	ssub.s32 $0x2, s7;
	p0 =	seq.s32 s7, $0x0;
	s7 =	smul.u32 $0x7E, s0  }
0x9: {  	s12 =	sshll.u32 s0, $0x5;
	s13 =	smul.u32 $0x4F000, s0;
	s31 =	sshll.u32 s0, $0x6  }
0xa: {  	s11 =	sshrl.u32 s10, $0x1;
	s5 =	sadd.s32 s5, s4;
	s4 =	sadd.s32 $0x1A00, s6  }
0xb: {  	s10 =	ssub.s32 s10, s11;
	s11 =	sadd.s32 $0x7E0, s12;
	s30 =	sshrl.u32 s13, $0x2  }
0xc: {  	s9 =	sshrl.u32 s5, $0x3;
	s5 =	sadd.s32 $0x29200, s6;
	s11 =	smov.u32 @p0 s7  }
0xd: {  	s13 =	sadd.s32 s30, s2;
	s7 =	sor.u32 $0x1C04, s31;
	s10 =	smax.u32 s10, $0x1  }
0xe: {  	s9 =	sadd.s32 s9, s6;
	s6 =	simm.s32 $0x7E;
	s11 =	sshll.u32 s11, $0x5  }
0xf: {  	s12 =	sshrl.u32 s13, $0x3;
	s13 =	simm.s32 $0x4;
	s8 =	sadd.s32 s8, s11  }
0x10: {  	s6 =	simm.s32 @!p0 $0x20;
	s9 =	sadd.s32 $0x2BA00, s9;
	s11 =	sadd.s32 $0x20, s8  }
.LBB2_1:
0x11: {  	[spmem:s12], [sflag:s7] =	dma.local [hbm:s5], $0x2780  }
0x12: {  	_ =	swait.ge [sflag:s13], $0x2780  }
0x13: {  	s17 =	simm.s32 $0x80;
	s18 =	simm.s32 $0x300;
	[sflag:s13] =	ssyncset.done $0x0  }
0x14: {  	s19 =	simm.s32 $0x1;
	p2 =	por $0x1, $0x1;
	[sflag:s13] =	ssyncadd.s32 $0xFFFFD880  }
0x15: {  	s20 =	smulhi.u32 $0xAAAAAAAB, s3;
	p1 =	sne.s32 s6, $0x1;
	[bflag:$0x0] =	sbarrier.arrive $0xFFFF  }
0x16: {  	[tilespmem:s3], [sflag:$0x3] =	stream.linear.gather [hbm4b:s8+s3], $0x100, $0x38;
	[tilespmem:$0x1FF00] =	vst v63  }
0x17: {  	p0 =	sle.u32 s6, $0x1;
	s21 =	simm.s32 @!p2 $0x2;
	_ =	swait.ge [sflag:s14], $0x100  }
0x18: {  	s19 =	smulhi.u32 $0xAAAAAAAB, s19;
	s20 =	sshrl.u32 s20, $0x1;
	[sflag:s14] =	ssyncset.done $0x0  }
0x19: {  	s26 =	simm.s32 @!p0 $0x1;
	s22 =	smul.u32 $0xFFFD0000, s20;
	[sflag:s14] =	ssyncadd.s32 $0xFFFFFF00  }
0x1a: {  	[tilespmem:s18], [sflag:$0x1] =	stream.indirect.gather [hbm4b:s4+s17], $0x80, s3, s17, $0xb8;
	[tilespmem:$0x1FF00] =	vst v63  }
0x1b: {  	s23 =	sshrl.u32 s19, $0x1;
	s30 =	smul.u32 $0xFFFFF400, s20;
	_ =	swait.ge @!p2 [sflag:s21], $0x4000  }
0x1c: {  	s25 =	simm.s32 @!p0 $0x80;
	s31 =	smul.u32 $0xFFFFF400, s23;
	[sflag:s21] =	ssyncset.done @!p2 $0x0  }
0x1d: {  	s23 =	smul.u32 $0xFFFD0000, s23;
	[sflag:s21] =	ssyncadd.s32 @!p2 $0xFFFFC000;
	s21 =	simm.s32 @p0 $0x1  }
0x1e: {  	s22 =	sshra.s32 s22, $0x2;
	s19 =	sshra.s32 s30, $0x2;
	_ =	swait.ge @p0 [sflag:s21], $0x4000  }
0x1f: {  	s22 =	sadd.s32 $0x300, s22;
	s20 =	sshra.s32 s31, $0x2;
	[sflag:s21] =	ssyncset.done @p0 $0x0  }
0x20: {  	[sflag:s21] =	ssyncadd.s32 @p0 $0xFFFFC000;
	s21 =	sadd.s32 $0x80, s19;
	s19 =	simm.s32 @p0 $0x80  }
0x21: {  	[spmem:s2] =	stream.indirect.scatter.add.f32 @p0 [tilespmem:s22], [sflag:$0x2], $0x80, s21, s19, $0xb8;
	[tilespmem:$0x1FF00] =	vst v63  }
0x22: {  	s23 =	sshra.s32 s23, $0x2;
	s24 =	sadd.s32 $0x100, s20;
	s19 =	simm.s32 @!p0 $0x0  }
0x23: {  	[tilespmem:s24], [sflag:$0x3] =	stream.linear.gather @!p0 [hbm4b:s11+s19], $0x100, $0x38;
	[tilespmem:$0x1FF00] =	vst v63  }
0x24: {  	s20 =	simm.s32 $0x4300;
	s28 =	sadd.s32 $0x4300, s23;
	_ =	swait.ge @!p0 [sflag:s26], $0x4000  }
.Ltmp0:
0x25: {  	s23 =	simm.s32 $0x2;
	[sflag:s26] =	ssyncset.done @!p0 $0x0;
	(pc) =	sbr.rel @!p1 .LBB2_3-.Ltmp0, $4  }
0x26: {  	s17 =	simm.s32 $0x4300;
	[sflag:s26] =	ssyncadd.s32 @!p0 $0xFFFFC000;
	s26 =	simm.s32 @!p0 $0x3  }
0x27: {  	[spmem:s2] =	stream.indirect.scatter.add.f32 @!p0 [tilespmem:s22], [sflag:$0x2], $0x80, s21, s25, $0xb8;
	[tilespmem:$0x1FF00] =	vst v63  }
0x28: {  	s18 =	simm.s32 $0x1;
	s19 =	simm.s32 $0x180;
	_ =	swait.ge @!p0 [sflag:s26], $0x100  }
0x29: {  	s21 =	simm.s32 $0x200;
	s22 =	sadd.s32 $0x20, s11;
	[sflag:s26] =	ssyncset.done @!p0 $0x0  }
.LBB2_2:
0x2a: {  	[sflag:s26] =	ssyncadd.s32 @!p0 $0xFFFFFF00;
	s17 =	sadd.s32 $0x4000, s17  }
0x2b: {  	s26 =	smov.u32 s18;
	s18 =	sadd.s32 $0x1, s18;
	s29 =	smov.u32 s19  }
0x2c: {  	[tilespmem:s28], [sflag:$0x1] =	stream.indirect.gather @!p0 [hbm4b:s4+s25], $0x80, s24, s25, $0xb8;
	[tilespmem:$0x1FF00] =	vst v63  }
0x2d: {  	p2 =	slt.u32 s26, $0x2;
	p1 =	sne.s32 s6, s18  }
0x2e: {  	s24 =	smulhi.u32 $0xAAAAAAAB, s26;
	s25 =	simm.s32 @!p2 $0x2  }
0x2f: {  	s19 =	sadd.s32 $0x100, s19;
	s26 =	smulhi.u32 $0xAAAAAAAB, s23;
	_ =	swait.ge @!p2 [sflag:s25], $0x4000  }
0x30: {  	p0 =	sge.u32 s18, s6;
	s24 =	sshrl.u32 s24, $0x1;
	[sflag:s25] =	ssyncset.done @!p2 $0x0  }
0x31: {  	s28 =	smul.u32 $0xFFFD0000, s24;
	[sflag:s25] =	ssyncadd.s32 @!p2 $0xFFFFC000;
	s25 =	simm.s32 @p0 $0x1  }
0x32: {  	s26 =	sshrl.u32 s26, $0x1;
	s24 =	smul.u32 $0xFFFFF400, s24;
	_ =	swait.ge @p0 [sflag:s25], $0x4000  }
0x33: {  	s30 =	smul.u32 $0xFFFFF400, s26;
	s28 =	sshra.s32 s28, $0x2;
	[sflag:s25] =	ssyncset.done @p0 $0x0  }
0x34: {  	s24 =	sshra.s32 s24, $0x2;
	s28 =	sadd.s32 s28, s20;
	[sflag:s25] =	ssyncadd.s32 @p0 $0xFFFFC000  }
0x35: {  	s29 =	sadd.s32 s24, s29;
	s24 =	simm.s32 @p0 $0x80;
	s25 =	sshra.s32 s30, $0x2  }
0x36: {  	[spmem:s2] =	stream.indirect.scatter.add.f32 @p0 [tilespmem:s28], [sflag:$0x2], $0x80, s29, s24, $0xb8;
	[tilespmem:$0x1FF00] =	vst v63  }
0x37: {  	s30 =	simm.s32 @!p0 $0x1;
	s24 =	sadd.s32 s25, s21;
	s25 =	simm.s32 @!p0 $0x0  }
0x38: {  	[tilespmem:s24], [sflag:$0x3] =	stream.linear.gather @!p0 [hbm4b:s22+s25], $0x100, $0x38;
	[tilespmem:$0x1FF00] =	vst v63  }
0x39: {  	s26 =	smul.u32 $0xFFFD0000, s26;
	s20 =	sadd.s32 $0x4000, s20;
	_ =	swait.ge @!p0 [sflag:s30], $0x4000  }
.Ltmp1:
0x3a: {  	s25 =	simm.s32 @!p0 $0x80;
	[sflag:s30] =	ssyncset.done @!p0 $0x0;
	(pc) =	sbr.rel @p1 .LBB2_2-.Ltmp1, $4  }
0x3b: {  	s31 =	sshra.s32 s26, $0x2;
	s26 =	simm.s32 @!p0 $0x3;
	[sflag:s30] =	ssyncadd.s32 @!p0 $0xFFFFC000  }
0x3c: {  	[spmem:s2] =	stream.indirect.scatter.add.f32 @!p0 [tilespmem:s28], [sflag:$0x2], $0x80, s29, s25, $0xb8;
	[tilespmem:$0x1FF00] =	vst v63  }
0x3d: {  	s21 =	sadd.s32 $0x100, s21;
	s22 =	sadd.s32 $0x20, s22;
	_ =	swait.ge @!p0 [sflag:s26], $0x100  }
0x3e: {  	s23 =	sadd.s32 $0x1, s23;
	s28 =	sadd.s32 s31, s17;
	[sflag:s26] =	ssyncset.done @!p0 $0x0  }
.LBB2_3:
0x3f: {  	[sflag:s26] =	ssyncadd.s32 @!p0 $0xFFFFFF00  }
0x40: {  	[tilespmem:s28], [sflag:$0x1] =	stream.indirect.gather @!p0 [hbm4b:s4+s25], $0x80, s24, s25, $0xb8;
	[tilespmem:$0x1FF00] =	vst v63  }
0x41: {  	_ =	swait.ge [sflag:s15], $0x4000  }
0x42: {  	[sflag:s15] =	ssyncset.done $0x0  }
0x43: {  	[sflag:s15] =	ssyncadd.s32 $0xFFFFC000  }
0x44: {  	_ =	swait.ge [sflag:s15], $0x4000  }
0x45: {  	s16 =	sadd.s32 $0x1, s16;
	[sflag:s15] =	ssyncset.done $0x0  }
0x46: {  	p0 =	sne.s32 s16, s10;
	[sflag:s15] =	ssyncadd.s32 $0xFFFFC000  }
.Ltmp2:
0x47: {  	[bflag:$0x0] =	sbarrier.arrive $0xFFFF;
	(pc) =	sbr.rel @p0 .LBB2_1-.Ltmp2, $4  }
0x48: {  	[hbm:s9], [sflag:s7] =	dma.local [spmem:s12], $0x2780  }
0x49: {  	_ =	swait.ge [sflag:s13], $0x2780  }
0x4a: {  	[sflag:s13] =	ssyncset.done $0x0  }
0x4b: {  	[sflag:s13] =	ssyncadd.s32 $0xFFFFD880  }
0x4c: {  	_ =	sfence.sel $0x180000  }
0x4d: {  	[bflag:$0x0] =	sbarrier.arrive $0xFFFF  }
0x4e: {  	p0 =	sne.s32 s0, $0x0;
	_ =	strace $0x90000047  }
0x4f: {  	s0 =	sadd.s32 @!p0 $0x100000, s1;
	[bflag:$0x2] =	sbarrier.arrive $0xFFFF  }
0x50: {  	[sflag:s0] =	ssyncadd.tile.s32 @!p0 $0x1;
	_ =	shalt  }
.Lfunc_end2:
_tile_overlayer_lowered:
.L_overlay_start_2:
0x51: {  	(tag) =	ssettag $0x2  }
0x52: {  	s0 =	rddreg [dreg:$0x0];
	s2 =	stileid.u32  }
0x53: {  	s1 =	rddreg [dreg:$0x1];
	p0 =	sne.s32 s2, $0x0  }
0x54: {  	s3 =	rddreg [dreg:$0x2];
	[bflag:$0x3] =	sbarrier.arrive $0xFFFF;
	s2 =	simm.s32 @!p0 $0x1C04  }
0x55: {  	[timem:s3], [sflag:s2] =	dma.local @!p0 [hbm:s0], s1  }
0x56: {  	s0 =	simm.s32 @!p0 $0x4  }
0x57: {  	_ =	swait.ge @!p0 [sflag:s0], s1  }
0x58: {  	s1 =	ssub.s32 @!p0 $0x0, s1;
	[sflag:s0] =	ssyncset.done @!p0 $0x0  }
0x59: {  	[sflag:s0] =	ssyncadd.s32 @!p0 s1  }
0x5a: {  	[bflag:$0x3] =	sbarrier.arrive $0xFFFF  }
0x5b: {  	_ =	shalt  }

</sc_bundles>
